<compile_context>
chip_gen: v7x
topology: tpu7x:2x2x1
jax: 0.10.2.dev20260603
libtpu: 0.0.44.dev20260713+nightly
codegen_flags: <defaults>
</compile_context>

<pallas_src>
import functools

import jax
import jax.numpy as jnp
from jax import lax
from jax.experimental import pallas as pl
from jax.experimental.pallas import tpu as pltpu
from jax.experimental.pallas import tpu_sc as plsc

_NW = 32
_C = 2048
_IGN = 100


@functools.lru_cache(maxsize=None)
def _build(n_nets, n_pins, G, SS):
    mesh = plsc.VectorSubcoreMesh(core_axis_name="c", subcore_axis_name="s")
    ninf = jnp.float32(-jnp.inf)
    pinf = jnp.float32(jnp.inf)

    fp_clamp = n_pins - _C
    assert fp_clamp % 8 == 0 and fp_clamp > 0

    @functools.partial(
        pl.kernel,
        mesh=mesh,
        out_type=jax.ShapeDtypeStruct((_NW * G,), jnp.float32),
        scratch_types=[
            pltpu.VMEM((SS,), jnp.int32),
            pltpu.VMEM((2 * _C,), jnp.int32),
            pltpu.VMEM((2 * _C,), jnp.float32),
            pltpu.VMEM((2 * _C,), jnp.float32),
            pltpu.VMEM((G + 16,), jnp.float32),
            pltpu.SemaphoreType.DMA,
            pltpu.SemaphoreType.DMA,
        ],
        compiler_params=pltpu.CompilerParams(needs_layout_passes=False),
    )
    def k(ns_hbm, fp_hbm, pos_hbm, out_hbm,
          ns_v, idx_v, x_v, y_v, out_v, semx, semy):
        wid = lax.axis_index("s") * 2 + lax.axis_index("c")
        nw0 = wid * G
        pltpu.sync_copy(ns_hbm.at[pl.ds(nw0, SS)], ns_v)
        s0 = ns_v[pl.ds(0, 16)][0]
        p0a0 = jnp.minimum((s0 // 8) * 8, fp_clamp)
        s_end = ns_v[pl.ds(G, 16)][0]
        lane = lax.iota(jnp.int32, 16)
        negv = jnp.full((16,), -jnp.inf, jnp.float32)
        posv = jnp.full((16,), jnp.inf, jnp.float32)
        ys_hbm = pos_hbm.at[pl.ds(n_pins, n_pins)]

        def issue(p0, par):
            off = pl.multiple_of(par * _C, 8)
            p0 = pl.multiple_of(p0, 8)
            pltpu.sync_copy(fp_hbm.at[pl.ds(p0, _C)], idx_v.at[pl.ds(off, _C)])
            pltpu.async_copy(
                pos_hbm.at[idx_v.at[pl.ds(off, _C)]], x_v.at[pl.ds(off, _C)],
                semx)
            pltpu.async_copy(
                ys_hbm.at[idx_v.at[pl.ds(off, _C)]], y_v.at[pl.ds(off, _C)],
                semy)

        def wait(par):
            off = pl.multiple_of(par * _C, 8)
            pltpu.make_async_copy(
                pos_hbm.at[idx_v.at[pl.ds(off, _C)]], x_v.at[pl.ds(off, _C)],
                semx).wait()
            pltpu.make_async_copy(
                ys_hbm.at[idx_v.at[pl.ds(off, _C)]], y_v.at[pl.ds(off, _C)],
                semy).wait()

        issue(p0a0, 0)
        wait(0)

        @pl.when(p0a0 + _C < s_end)
        def _():
            issue(jnp.minimum(p0a0 + _C, fp_clamp), 1)

        n_steps = G // 16 + (s_end - p0a0 + _C - 1) // _C + 2

        def step(_, st):
            t, n_cur, cxmax, cxmin, cymax, cymin = st
            active = n_cur < G
            nc = jnp.minimum(n_cur, G)
            p0 = jnp.minimum(p0a0 + t * _C, fp_clamp)
            chunk_end = p0 + _C
            starts = ns_v[pl.ds(nc, 16)]
            ends = ns_v[pl.ds(nc + 1, 16)]
            deg = ends - starts
            validdeg = (deg >= 2) & (deg <= _IGN)
            lo = jnp.maximum(starts, p0)
            hi = jnp.minimum(ends, chunk_end)
            cnt = jnp.where(validdeg, jnp.maximum(hi - lo, 0), 0)
            paroff = (t & 1) * _C
            base_k = lo - p0 + paroff
            is0 = lane == 0
            axmax0 = jnp.where(is0, cxmax, negv)
            axmin0 = jnp.where(is0, cxmin, posv)
            aymax0 = jnp.where(is0, cymax, negv)
            aymin0 = jnp.where(is0, cymin, posv)
            maxcnt = jnp.max(cnt)
            m0 = cnt > 0
            hi_idx = jnp.minimum(
                base_k + jnp.maximum(cnt - 1, 0), 2 * _C - 1)

            def j_body(i, acc):
                bxmax, bxmin, bymax, bymin = acc
                kk0 = jnp.minimum(base_k + 2 * i, hi_idx)
                kk1 = jnp.minimum(kk0 + 1, hi_idx)
                x0 = plsc.load_gather(x_v, [kk0])
                y0 = plsc.load_gather(y_v, [kk0])
                x1 = plsc.load_gather(x_v, [kk1])
                y1 = plsc.load_gather(y_v, [kk1])
                bxmax = jnp.maximum(bxmax, jnp.maximum(x0, x1))
                bxmin = jnp.minimum(bxmin, jnp.minimum(x0, x1))
                bymax = jnp.maximum(bymax, jnp.maximum(y0, y1))
                bymin = jnp.minimum(bymin, jnp.minimum(y0, y1))
                return (bxmax, bxmin, bymax, bymin)

            axmax, axmin, aymax, aymin = lax.fori_loop(
                0, (maxcnt + 1) // 2, j_body,
                (axmax0, axmin0, aymax0, aymin0))
            axmax = jnp.where(m0, axmax, axmax0)
            axmin = jnp.where(m0, axmin, axmin0)
            aymax = jnp.where(m0, aymax, aymax0)
            aymin = jnp.where(m0, aymin, aymin0)

            finished = ends <= chunk_end
            nfin = plsc.all_reduce_population_count(finished)[0]
            wl = jnp.where(
                validdeg, (axmax - axmin) + (aymax - aymin),
                jnp.zeros((16,), jnp.float32))

            @pl.when(active)
            def _():
                out_v[pl.ds(nc, 16)] = wl

            has_carry = nfin < 16
            perm = jnp.broadcast_to(jnp.minimum(nfin, 15), (16,))
            ncxmax = jnp.where(has_carry, axmax[perm], negv)
            ncxmin = jnp.where(has_carry, axmin[perm], posv)
            ncymax = jnp.where(has_carry, aymax[perm], negv)
            ncymin = jnp.where(has_carry, aymin[perm], posv)

            full = nfin == 16
            new_n = n_cur + jnp.where(active, nfin, 0)
            do_fetch = active & jnp.logical_not(full)
            new_t = jnp.where(do_fetch, t + 1, t)

            @pl.when(do_fetch)
            def _():
                nxt_par = 1 - (t & 1)
                wait(nxt_par)
                np1 = jnp.minimum(p0 + _C, fp_clamp)

                @pl.when(np1 + _C < s_end)
                def _():
                    issue(jnp.minimum(np1 + _C, fp_clamp), t & 1)

            return (new_t, new_n, ncxmax, ncxmin, ncymax, ncymin)

        lax.fori_loop(
            0, n_steps, step,
            (jnp.int32(0), jnp.int32(0), negv, posv, negv, posv))
        pltpu.sync_copy(out_v.at[pl.ds(0, G)], out_hbm.at[pl.ds(nw0, G)])

    return k


def kernel(pos, flat_netpin, netpin_start, read_lut_flag):
    n_pins = flat_netpin.shape[0]
    n_nets = netpin_start.shape[0] - 1
    G = -(-n_nets // _NW)
    G = ((G + 7) // 8) * 8
    SS = ((G + 33 + 7) // 8) * 8
    pad = jnp.full((_NW * G + 64 - (n_nets + 1),), n_pins, jnp.int32)
    ns_pad = jnp.concatenate([netpin_start.astype(jnp.int32), pad])
    out = _build(n_nets, n_pins, G, SS)(ns_pad, flat_netpin, pos)
    return out[:n_nets]

# --- scband reference (transcript-rebuilt; emitter-appended) ---
"""Pipeline reference for scband-rmst-wl-20959440404552 (READ-ONLY COPY).

The authoritative reference and input builder live on the scoring server;
editing this copy changes nothing except your own understanding.
"""

import jax, jax.numpy as jnp
import numpy as np

N_NETS = 100000
N_PINS = 400000
IGNORE_NET_DEGREE = 100

def setup_inputs(seed: int = 0) -> dict:
    key = jax.random.key(seed)
    k1, k2, k3 = jax.random.split(key, 3)
    # pin positions: x array followed by y array, as in DREAMPlace layout
    pos = jax.random.normal(k1, (2 * N_PINS,), dtype=jnp.float32) * 1000.0
    flat_netpin = jax.random.randint(k2, (N_PINS,), 0, N_PINS, dtype=jnp.int32)
    inner = jnp.sort(jax.random.randint(k3, (N_NETS - 1,), 0, N_PINS, dtype=jnp.int32))
    netpin_start = jnp.concatenate([
        jnp.array([0], dtype=jnp.int32),
        inner,
        jnp.array([N_PINS], dtype=jnp.int32),
    ])
    return {
        'pos': pos,
        'flat_netpin': flat_netpin,
        'netpin_start': netpin_start,
        'read_lut_flag': 1,
    }

def reference(pos, flat_netpin, netpin_start, read_lut_flag):
    # Half-perimeter wirelength per net (the C++ extension's documented output),
    # computed with ragged segment reductions over the flat netpin map.
    n_nets = netpin_start.shape[0] - 1
    n_pins = flat_netpin.shape[0]
    # build per-pin segment (net) ids from ragged offsets
    bumps = jnp.zeros((n_pins,), dtype=jnp.int32).at[netpin_start[1:-1]].add(1)
    seg = jnp.cumsum(bumps)
    # gather pin coordinates
    px = pos[flat_netpin]
    py = pos[flat_netpin + n_pins]
    xmax = jax.ops.segment_max(px, seg, num_segments=n_nets, indices_are_sorted=True)
    xmin = -jax.ops.segment_max(-px, seg, num_segments=n_nets, indices_are_sorted=True)
    ymax = jax.ops.segment_max(py, seg, num_segments=n_nets, indices_are_sorted=True)
    ymin = -jax.ops.segment_max(-py, seg, num_segments=n_nets, indices_are_sorted=True)
    degree = netpin_start[1:] - netpin_start[:-1]
    wl = (xmax - xmin) + (ymax - ymin)
    valid = (degree >= 2) & (degree <= IGNORE_NET_DEGREE)
    return jnp.where(valid, wl, 0.0)

if __name__ == "__main__":
    import jax
    _d = setup_inputs()
    print(jax.jit(kernel)(*tuple(_d.values())))

</pallas_src>

<mosaic_0001>
#map = affine_map<(d0, d1) -> (0)>
module attributes {stable_mosaic.version = 14 : i64} {
  func.func @k(%arg0: i32, %arg1: i32, %arg2: memref<100160xi32, #tpu.memory_space<hbm>>, %arg3: memref<400000xi32, #tpu.memory_space<hbm>>, %arg4: memref<800000xf32, #tpu.memory_space<hbm>>, %arg5: memref<100096xf32, #tpu.memory_space<hbm>>, %arg6: memref<3168xi32, #tpu.memory_space<vmem>>, %arg7: memref<4096xi32, #tpu.memory_space<vmem>>, %arg8: memref<4096xf32, #tpu.memory_space<vmem>>, %arg9: memref<4096xf32, #tpu.memory_space<vmem>>, %arg10: memref<3144xf32, #tpu.memory_space<vmem>>, %arg11: memref<!tpu.dma_semaphore, #tpu.memory_space<semaphore_mem>>, %arg12: memref<!tpu.dma_semaphore, #tpu.memory_space<semaphore_mem>>) attributes {dimension_semantics = [#tpu.dimension_semantics<core_parallel>, #tpu.dimension_semantics<subcore_parallel>], iteration_bounds = array<i64: 2, 16>, scalar_prefetch = 0 : i64, scratch_operands = 7 : i64, tpu.core_type = #tpu.core_type<sc_vector_subcore>, window_params = [{transform_indices = #map}, {transform_indices = #map}, {transform_indices = #map}, {transform_indices = #map}]} {
    %mul3A = arith.constant 2 : i32
    %mul3A_0 = arith.muli %arg1, %mul3A : i32
    %add3A = arith.addi %mul3A_0, %arg0 : i32
    %mul3A_1 = arith.constant 3128 : i32
    %mul3A_2 = arith.muli %add3A, %mul3A_1 : i32
    "tpu.region"() ({
      %run_scoped3A = tpu.sem_alloc : memref<!tpu.dma_semaphore, #tpu.memory_space<semaphore_mem>>
      %dma_start3A_100 = tpu.memref_slice %arg2[%mul3A_2] : memref<100160xi32, #tpu.memory_space<hbm>> -> memref<3168xi32, #tpu.memory_space<hbm>>
      %dma_start3A_101 = tpu.memref_slice %arg2[%mul3A_2] : memref<100160xi32, #tpu.memory_space<hbm>> -> memref<3168xi32, #tpu.memory_space<hbm>>
      tpu.enqueue_dma source(%dma_start3A_101 : memref<3168xi32, #tpu.memory_space<hbm>>) target(%arg6 : memref<3168xi32, #tpu.memory_space<vmem>>) target_semaphore(%run_scoped3A : memref<!tpu.dma_semaphore, #tpu.memory_space<semaphore_mem>>)
      %dma_wait3A_102 = tpu.memref_slice %arg2[%mul3A_2] : memref<100160xi32, #tpu.memory_space<hbm>> -> memref<3168xi32, #tpu.memory_space<hbm>>
      %dma_wait3A_103 = tpu.memref_slice %arg2[%mul3A_2] : memref<100160xi32, #tpu.memory_space<hbm>> -> memref<3168xi32, #tpu.memory_space<hbm>>
      tpu.wait_dma2 semaphore(%run_scoped3A : memref<!tpu.dma_semaphore, #tpu.memory_space<semaphore_mem>>) src(%dma_wait3A_103 : memref<3168xi32, #tpu.memory_space<hbm>>) dst(%arg6 : memref<3168xi32, #tpu.memory_space<vmem>>)
      tpu.yield
    }) : () -> ()
    %get3A = arith.constant 0 : index
    %get3A_3 = tpu.vector_load %arg6[%get3A] {strides = array<i32>} : memref<3168xi32, #tpu.memory_space<vmem>>, vector<16xi32>,
    %slice3A = vector.extract_strided_slice %get3A_3 {offsets = [0], sizes = [1], strides = [1]} : vector<16xi32> to vector<1xi32>
    %squeeze3A = vector.extract %slice3A[0] : i32 from vector<1xi32>
    %jit3A = arith.constant 8 : i32
    %div3A = arith.divsi %squeeze3A, %jit3A : i32
    %sign3A = arith.constant 0 : i32
    %sign3A_4 = arith.cmpi sgt, %squeeze3A, %sign3A : i32
    %sign3A_5 = arith.extui %sign3A_4 : i1 to i32
    %sign3A_6 = arith.constant 0 : i32
    %sign3A_7 = arith.cmpi slt, %squeeze3A, %sign3A_6 : i32
    %sign3A_8 = arith.extui %sign3A_7 : i1 to i32
    %sign3A_9 = arith.subi %sign3A_5, %sign3A_8 : i32
    %sign3A_10 = arith.constant 0 : i32
    %sign3A_11 = arith.cmpi sgt, %jit3A, %sign3A_10 : i32
    %sign3A_12 = arith.extui %sign3A_11 : i1 to i32
    %sign3A_13 = arith.constant 0 : i32
    %sign3A_14 = arith.cmpi slt, %jit3A, %sign3A_13 : i32
    %sign3A_15 = arith.extui %sign3A_14 : i1 to i32
    %sign3A_16 = arith.subi %sign3A_12, %sign3A_15 : i32
    %ne3A = arith.cmpi ne, %sign3A_9, %sign3A_16 : i32
    %rem3A = arith.remsi %squeeze3A, %jit3A : i32
    %ne3A_17 = arith.constant 0 : i32
    %ne3A_18 = arith.cmpi ne, %rem3A, %ne3A_17 : i32
    %and3A = arith.andi %ne3A, %ne3A_18 : i1
    %sub3A = arith.constant 1 : i32
    %sub3A_19 = arith.subi %div3A, %sub3A : i32
    %select_n3A = arith.select %and3A, %sub3A_19, %div3A : i32
    %mul3A_20 = arith.constant 8 : i32
    %mul3A_21 = arith.muli %select_n3A, %mul3A_20 : i32
    %min3A = arith.constant 397952 : i32
    %min3A_22 = arith.minsi %mul3A_21, %min3A : i32
    %get3A_23 = arith.constant 3128 : index
    %get3A_24 = tpu.vector_load %arg6[%get3A_23] {strides = array<i32>} : memref<3168xi32, #tpu.memory_space<vmem>>, vector<16xi32>,
    %slice3A_25 = vector.extract_strided_slice %get3A_24 {offsets = [0], sizes = [1], strides = [1]} : vector<16xi32> to vector<1xi32>
    %squeeze3A_26 = vector.extract %slice3A_25[0] : i32 from vector<1xi32>
    %iota3A = tpu.iota {dimensions = array<i32: 0>} : vector<16xi32>
    %broadcast_in_dim3A = arith.constant 0xFF800000 : f32
    %broadcast_in_dim3A_27 = vector.broadcast %broadcast_in_dim3A : f32 to vector<16xf32>
    %broadcast_in_dim3A_28 = arith.constant 0x7F800000 : f32
    %broadcast_in_dim3A_29 = vector.broadcast %broadcast_in_dim3A_28 : f32 to vector<16xf32>
    %multiple_of3A = arith.constant 0 : i32
    %multiple_of3A_30 = tpu.assume_multiple %multiple_of3A, 8 : i32
    %multiple_of3A_31 = tpu.assume_multiple %min3A_22, 8 : i32
    "tpu.region"() ({
      %run_scoped3A = tpu.sem_alloc : memref<!tpu.dma_semaphore, #tpu.memory_space<semaphore_mem>>
      %dma_start3A_100 = tpu.memref_slice %arg7[%multiple_of3A_30] : memref<4096xi32, #tpu.memory_space<vmem>> -> memref<2048xi32, #tpu.memory_space<vmem>>
      %dma_start3A_101 = tpu.memref_slice %arg3[%multiple_of3A_31] : memref<400000xi32, #tpu.memory_space<hbm>> -> memref<2048xi32, #tpu.memory_space<hbm>>
      %dma_start3A_102 = tpu.memref_slice %arg7[%multiple_of3A_30] : memref<4096xi32, #tpu.memory_space<vmem>> -> memref<2048xi32, #tpu.memory_space<vmem>>
      %dma_start3A_103 = tpu.memref_slice %arg3[%multiple_of3A_31] : memref<400000xi32, #tpu.memory_space<hbm>> -> memref<2048xi32, #tpu.memory_space<hbm>>
      tpu.enqueue_dma source(%dma_start3A_103 : memref<2048xi32, #tpu.memory_space<hbm>>) target(%dma_start3A_102 : memref<2048xi32, #tpu.memory_space<vmem>>) target_semaphore(%run_scoped3A : memref<!tpu.dma_semaphore, #tpu.memory_space<semaphore_mem>>)
      %dma_wait3A_104 = tpu.memref_slice %arg7[%multiple_of3A_30] : memref<4096xi32, #tpu.memory_space<vmem>> -> memref<2048xi32, #tpu.memory_space<vmem>>
      %dma_wait3A_105 = tpu.memref_slice %arg3[%multiple_of3A_31] : memref<400000xi32, #tpu.memory_space<hbm>> -> memref<2048xi32, #tpu.memory_space<hbm>>
      %dma_wait3A_106 = tpu.memref_slice %arg7[%multiple_of3A_30] : memref<4096xi32, #tpu.memory_space<vmem>> -> memref<2048xi32, #tpu.memory_space<vmem>>
      %dma_wait3A_107 = tpu.memref_slice %arg3[%multiple_of3A_31] : memref<400000xi32, #tpu.memory_space<hbm>> -> memref<2048xi32, #tpu.memory_space<hbm>>
      tpu.wait_dma2 semaphore(%run_scoped3A : memref<!tpu.dma_semaphore, #tpu.memory_space<semaphore_mem>>) src(%dma_wait3A_107 : memref<2048xi32, #tpu.memory_space<hbm>>) dst(%dma_wait3A_106 : memref<2048xi32, #tpu.memory_space<vmem>>)
      tpu.yield
    }) : () -> ()
    %dma_start3A = tpu.memref_slice %arg8[%multiple_of3A_30] : memref<4096xf32, #tpu.memory_space<vmem>> -> memref<2048xf32, #tpu.memory_space<vmem>>
    %dma_start3A_32 = tpu.memref_slice %arg7[%multiple_of3A_30] : memref<4096xi32, #tpu.memory_space<vmem>> -> memref<2048xi32, #tpu.memory_space<vmem>>
    %dma_start3A_33 = arith.constant 0 : i32
    %dma_start3A_34 = tpu.memref_slice %arg4[%dma_start3A_33] : memref<800000xf32, #tpu.memory_space<hbm>> -> memref<800000xf32, #tpu.memory_space<hbm>>
    tpu.enqueue_indirect_dma source(%dma_start3A_34 : memref<800000xf32, #tpu.memory_space<hbm>>) target(%dma_start3A : memref<2048xf32, #tpu.memory_space<vmem>>) offsets(%dma_start3A_32 : memref<2048xi32, #tpu.memory_space<vmem>>) semaphore(%arg11 : memref<!tpu.dma_semaphore, #tpu.memory_space<semaphore_mem>>)
    %dma_start3A_35 = tpu.memref_slice %arg9[%multiple_of3A_30] : memref<4096xf32, #tpu.memory_space<vmem>> -> memref<2048xf32, #tpu.memory_space<vmem>>
    %dma_start3A_36 = tpu.memref_slice %arg7[%multiple_of3A_30] : memref<4096xi32, #tpu.memory_space<vmem>> -> memref<2048xi32, #tpu.memory_space<vmem>>
    %dma_start3A_37 = arith.constant 400000 : i32
    %dma_start3A_38 = tpu.memref_slice %arg4[%dma_start3A_37] : memref<800000xf32, #tpu.memory_space<hbm>> -> memref<400000xf32, #tpu.memory_space<hbm>>
    %dma_start3A_39 = arith.constant 0 : i32
    %dma_start3A_40 = tpu.memref_slice %dma_start3A_38[%dma_start3A_39] : memref<400000xf32, #tpu.memory_space<hbm>> -> memref<400000xf32, #tpu.memory_space<hbm>>
    tpu.enqueue_indirect_dma source(%dma_start3A_40 : memref<400000xf32, #tpu.memory_space<hbm>>) target(%dma_start3A_35 : memref<2048xf32, #tpu.memory_space<vmem>>) offsets(%dma_start3A_36 : memref<2048xi32, #tpu.memory_space<vmem>>) semaphore(%arg12 : memref<!tpu.dma_semaphore, #tpu.memory_space<semaphore_mem>>)
    %multiple_of3A_41 = arith.constant 0 : i32
    %multiple_of3A_42 = tpu.assume_multiple %multiple_of3A_41, 8 : i32
    %dma_wait3A = tpu.memref_slice %arg8[%multiple_of3A_42] : memref<4096xf32, #tpu.memory_space<vmem>> -> memref<2048xf32, #tpu.memory_space<vmem>>
    %dma_wait3A_43 = tpu.memref_slice %arg7[%multiple_of3A_42] : memref<4096xi32, #tpu.memory_space<vmem>> -> memref<2048xi32, #tpu.memory_space<vmem>>
    %dma_wait3A_44 = arith.constant 0 : i32
    %dma_wait3A_45 = tpu.memref_slice %arg4[%dma_wait3A_44] : memref<800000xf32, #tpu.memory_space<hbm>> -> memref<800000xf32, #tpu.memory_space<hbm>>
    tpu.wait_indirect_dma semaphore(%arg11 : memref<!tpu.dma_semaphore, #tpu.memory_space<semaphore_mem>>) src(%dma_wait3A_45 : memref<800000xf32, #tpu.memory_space<hbm>>) dst(%dma_wait3A : memref<2048xf32, #tpu.memory_space<vmem>>)
    %dma_wait3A_46 = tpu.memref_slice %arg9[%multiple_of3A_42] : memref<4096xf32, #tpu.memory_space<vmem>> -> memref<2048xf32, #tpu.memory_space<vmem>>
    %dma_wait3A_47 = tpu.memref_slice %arg7[%multiple_of3A_42] : memref<4096xi32, #tpu.memory_space<vmem>> -> memref<2048xi32, #tpu.memory_space<vmem>>
    %dma_wait3A_48 = arith.constant 400000 : i32
    %dma_wait3A_49 = tpu.memref_slice %arg4[%dma_wait3A_48] : memref<800000xf32, #tpu.memory_space<hbm>> -> memref<400000xf32, #tpu.memory_space<hbm>>
    %dma_wait3A_50 = arith.constant 0 : i32
    %dma_wait3A_51 = tpu.memref_slice %dma_wait3A_49[%dma_wait3A_50] : memref<400000xf32, #tpu.memory_space<hbm>> -> memref<400000xf32, #tpu.memory_space<hbm>>
    tpu.wait_indirect_dma semaphore(%arg12 : memref<!tpu.dma_semaphore, #tpu.memory_space<semaphore_mem>>) src(%dma_wait3A_51 : memref<400000xf32, #tpu.memory_space<hbm>>) dst(%dma_wait3A_46 : memref<2048xf32, #tpu.memory_space<vmem>>)
    %add3A_52 = arith.constant 2048 : i32
    %add3A_53 = arith.addi %min3A_22, %add3A_52 : i32
    %lt3A = arith.cmpi slt, %add3A_53, %squeeze3A_26 : i32
    %convert_element_type3A = arith.extui %lt3A : i1 to i32
    %cond3A = arith.constant 0 : i32
    %cond3A_54 = arith.cmpi ne, %convert_element_type3A, %cond3A : i32
    scf.if %cond3A_54 {
      %add3A_100 = arith.constant 2048 : i32
      %add3A_101 = arith.addi %min3A_22, %add3A_100 : i32
      %min3A_102 = arith.constant 397952 : i32
      %min3A_103 = arith.minsi %add3A_101, %min3A_102 : i32
      %multiple_of3A_104 = arith.constant 2048 : i32
      %multiple_of3A_105 = tpu.assume_multiple %multiple_of3A_104, 8 : i32
      %multiple_of3A_106 = tpu.assume_multiple %min3A_103, 8 : i32
      "tpu.region"() ({
        %run_scoped3A = tpu.sem_alloc : memref<!tpu.dma_semaphore, #tpu.memory_space<semaphore_mem>>
        %dma_start3A_117 = tpu.memref_slice %arg7[%multiple_of3A_105] : memref<4096xi32, #tpu.memory_space<vmem>> -> memref<2048xi32, #tpu.memory_space<vmem>>
        %dma_start3A_118 = tpu.memref_slice %arg3[%multiple_of3A_106] : memref<400000xi32, #tpu.memory_space<hbm>> -> memref<2048xi32, #tpu.memory_space<hbm>>
        %dma_start3A_119 = tpu.memref_slice %arg7[%multiple_of3A_105] : memref<4096xi32, #tpu.memory_space<vmem>> -> memref<2048xi32, #tpu.memory_space<vmem>>
        %dma_start3A_120 = tpu.memref_slice %arg3[%multiple_of3A_106] : memref<400000xi32, #tpu.memory_space<hbm>> -> memref<2048xi32, #tpu.memory_space<hbm>>
        tpu.enqueue_dma source(%dma_start3A_120 : memref<2048xi32, #tpu.memory_space<hbm>>) target(%dma_start3A_119 : memref<2048xi32, #tpu.memory_space<vmem>>) target_semaphore(%run_scoped3A : memref<!tpu.dma_semaphore, #tpu.memory_space<semaphore_mem>>)
        %dma_wait3A_121 = tpu.memref_slice %arg7[%multiple_of3A_105] : memref<4096xi32, #tpu.memory_space<vmem>> -> memref<2048xi32, #tpu.memory_space<vmem>>
        %dma_wait3A_122 = tpu.memref_slice %arg3[%multiple_of3A_106] : memref<400000xi32, #tpu.memory_space<hbm>> -> memref<2048xi32, #tpu.memory_space<hbm>>
        %dma_wait3A_123 = tpu.memref_slice %arg7[%multiple_of3A_105] : memref<4096xi32, #tpu.memory_space<vmem>> -> memref<2048xi32, #tpu.memory_space<vmem>>
        %dma_wait3A_124 = tpu.memref_slice %arg3[%multiple_of3A_106] : memref<400000xi32, #tpu.memory_space<hbm>> -> memref<2048xi32, #tpu.memory_space<hbm>>
        tpu.wait_dma2 semaphore(%run_scoped3A : memref<!tpu.dma_semaphore, #tpu.memory_space<semaphore_mem>>) src(%dma_wait3A_124 : memref<2048xi32, #tpu.memory_space<hbm>>) dst(%dma_wait3A_123 : memref<2048xi32, #tpu.memory_space<vmem>>)
        tpu.yield
      }) : () -> ()
      %dma_start3A_107 = tpu.memref_slice %arg8[%multiple_of3A_105] : memref<4096xf32, #tpu.memory_space<vmem>> -> memref<2048xf32, #tpu.memory_space<vmem>>
      %dma_start3A_108 = tpu.memref_slice %arg7[%multiple_of3A_105] : memref<4096xi32, #tpu.memory_space<vmem>> -> memref<2048xi32, #tpu.memory_space<vmem>>
      %dma_start3A_109 = arith.constant 0 : i32
      %dma_start3A_110 = tpu.memref_slice %arg4[%dma_start3A_109] : memref<800000xf32, #tpu.memory_space<hbm>> -> memref<800000xf32, #tpu.memory_space<hbm>>
      tpu.enqueue_indirect_dma source(%dma_start3A_110 : memref<800000xf32, #tpu.memory_space<hbm>>) target(%dma_start3A_107 : memref<2048xf32, #tpu.memory_space<vmem>>) offsets(%dma_start3A_108 : memref<2048xi32, #tpu.memory_space<vmem>>) semaphore(%arg11 : memref<!tpu.dma_semaphore, #tpu.memory_space<semaphore_mem>>)
      %dma_start3A_111 = tpu.memref_slice %arg9[%multiple_of3A_105] : memref<4096xf32, #tpu.memory_space<vmem>> -> memref<2048xf32, #tpu.memory_space<vmem>>
      %dma_start3A_112 = tpu.memref_slice %arg7[%multiple_of3A_105] : memref<4096xi32, #tpu.memory_space<vmem>> -> memref<2048xi32, #tpu.memory_space<vmem>>
      %dma_start3A_113 = arith.constant 400000 : i32
      %dma_start3A_114 = tpu.memref_slice %arg4[%dma_start3A_113] : memref<800000xf32, #tpu.memory_space<hbm>> -> memref<400000xf32, #tpu.memory_space<hbm>>
      %dma_start3A_115 = arith.constant 0 : i32
      %dma_start3A_116 = tpu.memref_slice %dma_start3A_114[%dma_start3A_115] : memref<400000xf32, #tpu.memory_space<hbm>> -> memref<400000xf32, #tpu.memory_space<hbm>>
      tpu.enqueue_indirect_dma source(%dma_start3A_116 : memref<400000xf32, #tpu.memory_space<hbm>>) target(%dma_start3A_111 : memref<2048xf32, #tpu.memory_space<vmem>>) offsets(%dma_start3A_112 : memref<2048xi32, #tpu.memory_space<vmem>>) semaphore(%arg12 : memref<!tpu.dma_semaphore, #tpu.memory_space<semaphore_mem>>)
    } else {
    }
    %sub3A_55 = arith.subi %squeeze3A_26, %min3A_22 : i32
    %add3A_56 = arith.constant 2048 : i32
    %add3A_57 = arith.addi %sub3A_55, %add3A_56 : i32
    %sub3A_58 = arith.constant 1 : i32
    %sub3A_59 = arith.subi %add3A_57, %sub3A_58 : i32
    %jit3A_60 = arith.constant 2048 : i32
    %div3A_61 = arith.divsi %sub3A_59, %jit3A_60 : i32
    %sign3A_62 = arith.constant 0 : i32
    %sign3A_63 = arith.cmpi sgt, %sub3A_59, %sign3A_62 : i32
    %sign3A_64 = arith.extui %sign3A_63 : i1 to i32
    %sign3A_65 = arith.constant 0 : i32
    %sign3A_66 = arith.cmpi slt, %sub3A_59, %sign3A_65 : i32
    %sign3A_67 = arith.extui %sign3A_66 : i1 to i32
    %sign3A_68 = arith.subi %sign3A_64, %sign3A_67 : i32
    %sign3A_69 = arith.constant 0 : i32
    %sign3A_70 = arith.cmpi sgt, %jit3A_60, %sign3A_69 : i32
    %sign3A_71 = arith.extui %sign3A_70 : i1 to i32
    %sign3A_72 = arith.constant 0 : i32
    %sign3A_73 = arith.cmpi slt, %jit3A_60, %sign3A_72 : i32
    %sign3A_74 = arith.extui %sign3A_73 : i1 to i32
    %sign3A_75 = arith.subi %sign3A_71, %sign3A_74 : i32
    %ne3A_76 = arith.cmpi ne, %sign3A_68, %sign3A_75 : i32
    %rem3A_77 = arith.remsi %sub3A_59, %jit3A_60 : i32
    %ne3A_78 = arith.constant 0 : i32
    %ne3A_79 = arith.cmpi ne, %rem3A_77, %ne3A_78 : i32
    %and3A_80 = arith.andi %ne3A_76, %ne3A_79 : i1
    %sub3A_81 = arith.constant 1 : i32
    %sub3A_82 = arith.subi %div3A_61, %sub3A_81 : i32
    %select_n3A_83 = arith.select %and3A_80, %sub3A_82, %div3A_61 : i32
    %add3A_84 = arith.constant 195 : i32
    %add3A_85 = arith.addi %add3A_84, %select_n3A_83 : i32
    %add3A_86 = arith.constant 2 : i32
    %add3A_87 = arith.addi %add3A_85, %add3A_86 : i32
    %while3A = arith.constant 0 : i32
    %while3A_88 = arith.constant 0 : i32
    %while3A_89 = arith.constant 0 : i32
    %while3A_90 = arith.subi %add3A_87, %while3A : i32
    %while3A_91 = arith.addi %while3A, %while3A_90 : i32
    %while3A_92 = arith.constant 1 : i32
    %while3A_93 = arith.divsi %while3A_90, %while3A_92 : i32
    %while3A_94 = arith.muli %while3A_93, %while3A_92 : i32
    %while3A_95 = arith.addi %while3A, %while3A_94 : i32
    %while3A_96 = arith.constant 1 : i32
    %while3A_97:6 = scf.for %while3A_100 = %while3A to %while3A_95 step %while3A_96 iter_args(%while3A_101 = %while3A_88, %while3A_102 = %while3A_89, %while3A_103 = %broadcast_in_dim3A_27, %while3A_104 = %broadcast_in_dim3A_29, %while3A_105 = %broadcast_in_dim3A_27, %while3A_106 = %broadcast_in_dim3A_29) -> (i32, i32, vector<16xf32>, vector<16xf32>, vector<16xf32>, vector<16xf32>)  : i32 {
      %lt3A_107 = arith.constant 3128 : i32
      %lt3A_108 = arith.cmpi slt, %while3A_102, %lt3A_107 : i32
      %min3A_109 = arith.constant 3128 : i32
      %min3A_110 = arith.minsi %while3A_102, %min3A_109 : i32
      %mul3A_111 = arith.constant 2048 : i32
      %mul3A_112 = arith.muli %while3A_101, %mul3A_111 : i32
      %add3A_113 = arith.addi %min3A_22, %mul3A_112 : i32
      %min3A_114 = arith.constant 397952 : i32
      %min3A_115 = arith.minsi %add3A_113, %min3A_114 : i32
      %add3A_116 = arith.constant 2048 : i32
      %add3A_117 = arith.addi %min3A_115, %add3A_116 : i32
      %get3A_118 = arith.index_cast %min3A_110 : i32 to index
      %get3A_119 = tpu.vector_load %arg6[%get3A_118] {strides = array<i32>} : memref<3168xi32, #tpu.memory_space<vmem>>, vector<16xi32>,
      %add3A_120 = arith.constant 1 : i32
      %add3A_121 = arith.addi %min3A_110, %add3A_120 : i32
      %get3A_122 = arith.index_cast %add3A_121 : i32 to index
      %get3A_123 = tpu.vector_load %arg6[%get3A_122] {strides = array<i32>} : memref<3168xi32, #tpu.memory_space<vmem>>, vector<16xi32>,
      %sub3A_124 = arith.subi %get3A_123, %get3A_119 : vector<16xi32>
      %ge3A = arith.constant 2 : i32
      %ge3A_125 = vector.broadcast %ge3A : i32 to vector<16xi32>
      %ge3A_126 = arith.cmpi sge, %sub3A_124, %ge3A_125 : vector<16xi32>
      %le3A = arith.constant 100 : i32
      %le3A_127 = vector.broadcast %le3A : i32 to vector<16xi32>
      %le3A_128 = arith.cmpi sle, %sub3A_124, %le3A_127 : vector<16xi32>
      %and3A_129 = arith.andi %ge3A_126, %le3A_128 : vector<16xi1>
      %max3A = vector.broadcast %min3A_115 : i32 to vector<16xi32>
      %max3A_130 = arith.maxsi %get3A_119, %max3A : vector<16xi32>
      %min3A_131 = vector.broadcast %add3A_117 : i32 to vector<16xi32>
      %min3A_132 = arith.minsi %get3A_123, %min3A_131 : vector<16xi32>
      %sub3A_133 = arith.subi %min3A_132, %max3A_130 : vector<16xi32>
      %max3A_134 = arith.constant 0 : i32
      %max3A_135 = vector.broadcast %max3A_134 : i32 to vector<16xi32>
      %max3A_136 = arith.maxsi %sub3A_133, %max3A_135 : vector<16xi32>
      %jit3A_137 = arith.constant 0 : i32
      %broadcast_in_dim3A_138 = vector.broadcast %jit3A_137 : i32 to vector<16xi32>
      %select_n3A_139 = arith.select %and3A_129, %max3A_136, %broadcast_in_dim3A_138 : vector<16xi1>, vector<16xi32>
      %and3A_140 = arith.constant 1 : i32
      %and3A_141 = arith.andi %while3A_101, %and3A_140 : i32
      %mul3A_142 = arith.constant 2048 : i32
      %mul3A_143 = arith.muli %and3A_141, %mul3A_142 : i32
      %sub3A_144 = vector.broadcast %min3A_115 : i32 to vector<16xi32>
      %sub3A_145 = arith.subi %max3A_130, %sub3A_144 : vector<16xi32>
      %add3A_146 = vector.broadcast %mul3A_143 : i32 to vector<16xi32>
      %add3A_147 = arith.addi %sub3A_145, %add3A_146 : vector<16xi32>
      %eq3A = arith.constant 0 : i32
      %eq3A_148 = vector.broadcast %eq3A : i32 to vector<16xi32>
      %eq3A_149 = arith.cmpi eq, %iota3A, %eq3A_148 : vector<16xi32>
      %select_n3A_150 = arith.select %eq3A_149, %while3A_103, %broadcast_in_dim3A_27 : vector<16xi1>, vector<16xf32>
      %select_n3A_151 = arith.select %eq3A_149, %while3A_104, %broadcast_in_dim3A_29 : vector<16xi1>, vector<16xf32>
      %select_n3A_152 = arith.select %eq3A_149, %while3A_105, %broadcast_in_dim3A_27 : vector<16xi1>, vector<16xf32>
      %select_n3A_153 = arith.select %eq3A_149, %while3A_106, %broadcast_in_dim3A_29 : vector<16xi1>, vector<16xf32>
      %reduce_max3A = arith.constant true
      %reduce_max3A_154 = vector.broadcast %reduce_max3A : i1 to vector<16xi1>
      %reduce_max3A_155 = arith.constant -2147483648 : i32
      %reduce_max3A_156 = vector.broadcast %reduce_max3A_155 : i32 to vector<16xi32>
      %reduce_max3A_157 = arith.xori %select_n3A_139, %reduce_max3A_156 : vector<16xi32>
      %reduce_max3A_158 = tpu.scan <max>, %reduce_max3A_157 masked %reduce_max3A_154 : vector<16xi32>, vector<16xi1> -> vector<16xi32>
      %reduce_max3A_159 = arith.xori %reduce_max3A_158, %reduce_max3A_156 : vector<16xi32>
      %reduce_max3A_160 = vector.extract %reduce_max3A_159[15] : i32 from vector<16xi32>
      %gt3A = arith.constant 0 : i32
      %gt3A_161 = vector.broadcast %gt3A : i32 to vector<16xi32>
      %gt3A_162 = arith.cmpi sgt, %select_n3A_139, %gt3A_161 : vector<16xi32>
      %sub3A_163 = arith.constant 1 : i32
      %sub3A_164 = vector.broadcast %sub3A_163 : i32 to vector<16xi32>
      %sub3A_165 = arith.subi %select_n3A_139, %sub3A_164 : vector<16xi32>
      %max3A_166 = arith.constant 0 : i32
      %max3A_167 = vector.broadcast %max3A_166 : i32 to vector<16xi32>
      %max3A_168 = arith.maxsi %sub3A_165, %max3A_167 : vector<16xi32>
      %add3A_169 = arith.addi %add3A_147, %max3A_168 : vector<16xi32>
      %min3A_170 = arith.constant 4095 : i32
      %min3A_171 = vector.broadcast %min3A_170 : i32 to vector<16xi32>
      %min3A_172 = arith.minsi %add3A_169, %min3A_171 : vector<16xi32>
      %add3A_173 = arith.constant 1 : i32
      %add3A_174 = arith.addi %reduce_max3A_160, %add3A_173 : i32
      %jit3A_175 = arith.constant 2 : i32
      %div3A_176 = arith.divsi %add3A_174, %jit3A_175 : i32
      %sign3A_177 = arith.constant 0 : i32
      %sign3A_178 = arith.cmpi sgt, %add3A_174, %sign3A_177 : i32
      %sign3A_179 = arith.extui %sign3A_178 : i1 to i32
      %sign3A_180 = arith.constant 0 : i32
      %sign3A_181 = arith.cmpi slt, %add3A_174, %sign3A_180 : i32
      %sign3A_182 = arith.extui %sign3A_181 : i1 to i32
      %sign3A_183 = arith.subi %sign3A_179, %sign3A_182 : i32
      %sign3A_184 = arith.constant 0 : i32
      %sign3A_185 = arith.cmpi sgt, %jit3A_175, %sign3A_184 : i32
      %sign3A_186 = arith.extui %sign3A_185 : i1 to i32
      %sign3A_187 = arith.constant 0 : i32
      %sign3A_188 = arith.cmpi slt, %jit3A_175, %sign3A_187 : i32
      %sign3A_189 = arith.extui %sign3A_188 : i1 to i32
      %sign3A_190 = arith.subi %sign3A_186, %sign3A_189 : i32
      %ne3A_191 = arith.cmpi ne, %sign3A_183, %sign3A_190 : i32
      %rem3A_192 = arith.remsi %add3A_174, %jit3A_175 : i32
      %ne3A_193 = arith.constant 0 : i32
      %ne3A_194 = arith.cmpi ne, %rem3A_192, %ne3A_193 : i32
      %and3A_195 = arith.andi %ne3A_191, %ne3A_194 : i1
      %sub3A_196 = arith.constant 1 : i32
      %sub3A_197 = arith.subi %div3A_176, %sub3A_196 : i32
      %select_n3A_198 = arith.select %and3A_195, %sub3A_197, %div3A_176 : i32
      %while3A_199 = arith.constant 0 : i32
      %while3A_200 = arith.subi %select_n3A_198, %while3A_199 : i32
      %while3A_201 = arith.addi %while3A_199, %while3A_200 : i32
      %while3A_202 = arith.constant 1 : i32
      %while3A_203 = arith.divsi %while3A_200, %while3A_202 : i32
      %while3A_204 = arith.muli %while3A_203, %while3A_202 : i32
      %while3A_205 = arith.addi %while3A_199, %while3A_204 : i32
      %while3A_206 = arith.constant 1 : i32
      %while3A_207:4 = scf.for %while3A_288 = %while3A_199 to %while3A_205 step %while3A_206 iter_args(%while3A_289 = %select_n3A_150, %while3A_290 = %select_n3A_151, %while3A_291 = %select_n3A_152, %while3A_292 = %select_n3A_153) -> (vector<16xf32>, vector<16xf32>, vector<16xf32>, vector<16xf32>)  : i32 {
        %mul3A_293 = arith.constant 2 : i32
        %mul3A_294 = arith.muli %mul3A_293, %while3A_288 : i32
        %add3A_295 = vector.broadcast %mul3A_294 : i32 to vector<16xi32>
        %add3A_296 = arith.addi %add3A_147, %add3A_295 : vector<16xi32>
        %min3A_297 = arith.minsi %add3A_296, %min3A_172 : vector<16xi32>
        %add3A_298 = arith.constant 1 : i32
        %add3A_299 = vector.broadcast %add3A_298 : i32 to vector<16xi32>
        %add3A_300 = arith.addi %min3A_297, %add3A_299 : vector<16xi32>
        %min3A_301 = arith.minsi %add3A_300, %min3A_172 : vector<16xi32>
        %gather3A_302 = tpu.vector_load_idx %arg8[%min3A_297] : memref<4096xf32, #tpu.memory_space<vmem>>[vector<16xi32>], vector<16xf32>,
        %gather3A_303 = tpu.vector_load_idx %arg9[%min3A_297] : memref<4096xf32, #tpu.memory_space<vmem>>[vector<16xi32>], vector<16xf32>,
        %gather3A_304 = tpu.vector_load_idx %arg8[%min3A_301] : memref<4096xf32, #tpu.memory_space<vmem>>[vector<16xi32>], vector<16xf32>,
        %gather3A_305 = tpu.vector_load_idx %arg9[%min3A_301] : memref<4096xf32, #tpu.memory_space<vmem>>[vector<16xi32>], vector<16xf32>,
        %max3A_306 = arith.maximumf %gather3A_302, %gather3A_304 : vector<16xf32>
        %max3A_307 = arith.maximumf %while3A_289, %max3A_306 : vector<16xf32>
        %min3A_308 = arith.minimumf %gather3A_302, %gather3A_304 : vector<16xf32>
        %min3A_309 = arith.minimumf %while3A_290, %min3A_308 : vector<16xf32>
        %max3A_310 = arith.maximumf %gather3A_303, %gather3A_305 : vector<16xf32>
        %max3A_311 = arith.maximumf %while3A_291, %max3A_310 : vector<16xf32>
        %min3A_312 = arith.minimumf %gather3A_303, %gather3A_305 : vector<16xf32>
        %min3A_313 = arith.minimumf %while3A_292, %min3A_312 : vector<16xf32>
        scf.yield %max3A_307, %min3A_309, %max3A_311, %min3A_313 : vector<16xf32>, vector<16xf32>, vector<16xf32>, vector<16xf32>
      }
      %while3A_208 = arith.constant 1 : i32
      %while3A_209:4 = scf.for %while3A_288 = %while3A_205 to %while3A_201 step %while3A_208 iter_args(%while3A_289 = %while3A_207#0, %while3A_290 = %while3A_207#1, %while3A_291 = %while3A_207#2, %while3A_292 = %while3A_207#3) -> (vector<16xf32>, vector<16xf32>, vector<16xf32>, vector<16xf32>)  : i32 {
        %mul3A_293 = arith.constant 2 : i32
        %mul3A_294 = arith.muli %mul3A_293, %while3A_288 : i32
        %add3A_295 = vector.broadcast %mul3A_294 : i32 to vector<16xi32>
        %add3A_296 = arith.addi %add3A_147, %add3A_295 : vector<16xi32>
        %min3A_297 = arith.minsi %add3A_296, %min3A_172 : vector<16xi32>
        %add3A_298 = arith.constant 1 : i32
        %add3A_299 = vector.broadcast %add3A_298 : i32 to vector<16xi32>
        %add3A_300 = arith.addi %min3A_297, %add3A_299 : vector<16xi32>
        %min3A_301 = arith.minsi %add3A_300, %min3A_172 : vector<16xi32>
        %gather3A_302 = tpu.vector_load_idx %arg8[%min3A_297] : memref<4096xf32, #tpu.memory_space<vmem>>[vector<16xi32>], vector<16xf32>,
        %gather3A_303 = tpu.vector_load_idx %arg9[%min3A_297] : memref<4096xf32, #tpu.memory_space<vmem>>[vector<16xi32>], vector<16xf32>,
        %gather3A_304 = tpu.vector_load_idx %arg8[%min3A_301] : memref<4096xf32, #tpu.memory_space<vmem>>[vector<16xi32>], vector<16xf32>,
        %gather3A_305 = tpu.vector_load_idx %arg9[%min3A_301] : memref<4096xf32, #tpu.memory_space<vmem>>[vector<16xi32>], vector<16xf32>,
        %max3A_306 = arith.maximumf %gather3A_302, %gather3A_304 : vector<16xf32>
        %max3A_307 = arith.maximumf %while3A_289, %max3A_306 : vector<16xf32>
        %min3A_308 = arith.minimumf %gather3A_302, %gather3A_304 : vector<16xf32>
        %min3A_309 = arith.minimumf %while3A_290, %min3A_308 : vector<16xf32>
        %max3A_310 = arith.maximumf %gather3A_303, %gather3A_305 : vector<16xf32>
        %max3A_311 = arith.maximumf %while3A_291, %max3A_310 : vector<16xf32>
        %min3A_312 = arith.minimumf %gather3A_303, %gather3A_305 : vector<16xf32>
        %min3A_313 = arith.minimumf %while3A_292, %min3A_312 : vector<16xf32>
        scf.yield %max3A_307, %min3A_309, %max3A_311, %min3A_313 : vector<16xf32>, vector<16xf32>, vector<16xf32>, vector<16xf32>
      }
      %select_n3A_210 = arith.select %gt3A_162, %while3A_209#0, %select_n3A_150 : vector<16xi1>, vector<16xf32>
      %select_n3A_211 = arith.select %gt3A_162, %while3A_209#1, %select_n3A_151 : vector<16xi1>, vector<16xf32>
      %select_n3A_212 = arith.select %gt3A_162, %while3A_209#2, %select_n3A_152 : vector<16xi1>, vector<16xf32>
      %select_n3A_213 = arith.select %gt3A_162, %while3A_209#3, %select_n3A_153 : vector<16xi1>, vector<16xf32>
      %le3A_214 = vector.broadcast %add3A_117 : i32 to vector<16xi32>
      %le3A_215 = arith.cmpi sle, %get3A_123, %le3A_214 : vector<16xi32>
      %all_reduce_population_count3A = tpu.all_reduce %le3A_215 {dim = 0 : i64, kind = #tpu.reduction_kind<sum>} : vector<16xi1> -> vector<16xi32>
      %slice3A_216 = vector.extract_strided_slice %all_reduce_population_count3A {offsets = [0], sizes = [1], strides = [1]} : vector<16xi32> to vector<1xi32>
      %squeeze3A_217 = vector.extract %slice3A_216[0] : i32 from vector<1xi32>
      %sub3A_218 = arith.subf %select_n3A_210, %select_n3A_211 : vector<16xf32>
      %sub3A_219 = arith.subf %select_n3A_212, %select_n3A_213 : vector<16xf32>
      %add3A_220 = arith.addf %sub3A_218, %sub3A_219 : vector<16xf32>
      %broadcast_in_dim3A_221 = arith.constant 0.000000e+00 : f32
      %broadcast_in_dim3A_222 = vector.broadcast %broadcast_in_dim3A_221 : f32 to vector<16xf32>
      %select_n3A_223 = arith.select %and3A_129, %add3A_220, %broadcast_in_dim3A_222 : vector<16xi1>, vector<16xf32>
      %convert_element_type3A_224 = arith.extui %lt3A_108 : i1 to i32
      %cond3A_225 = arith.constant 0 : i32
      %cond3A_226 = arith.cmpi ne, %convert_element_type3A_224, %cond3A_225 : i32
      scf.if %cond3A_226 {
        %swap3A = arith.index_cast %min3A_110 : i32 to index
        %swap3A_288 = tpu.vector_load %arg10[%swap3A] {strides = array<i32>} : memref<3144xf32, #tpu.memory_space<vmem>>, vector<16xf32>,
        tpu.vector_store %arg10[%swap3A], %select_n3A_223 {strides = array<i32>} : memref<3144xf32, #tpu.memory_space<vmem>>, vector<16xf32>,
      } else {
      }
      %lt3A_227 = arith.constant 16 : i32
      %lt3A_228 = arith.cmpi slt, %squeeze3A_217, %lt3A_227 : i32
      %min3A_229 = arith.constant 15 : i32
      %min3A_230 = arith.minsi %squeeze3A_217, %min3A_229 : i32
      %broadcast_in_dim3A_231 = vector.broadcast %min3A_230 : i32 to vector<16xi32>
      %lt3A_232 = arith.constant 0 : i32
      %lt3A_233 = vector.broadcast %lt3A_232 : i32 to vector<16xi32>
      %lt3A_234 = arith.cmpi slt, %broadcast_in_dim3A_231, %lt3A_233 : vector<16xi32>
      %add3A_235 = arith.constant 16 : i32
      %add3A_236 = vector.broadcast %add3A_235 : i32 to vector<16xi32>
      %add3A_237 = arith.addi %broadcast_in_dim3A_231, %add3A_236 : vector<16xi32>
      %select_n3A_238 = arith.select %lt3A_234, %add3A_237, %broadcast_in_dim3A_231 : vector<16xi1>, vector<16xi32>
      %broadcast_in_dim3A_239 = vector.shape_cast %select_n3A_238 : vector<16xi32> to vector<16x1xi32>
      %gather3A = vector.shape_cast %broadcast_in_dim3A_239 : vector<16x1xi32> to vector<16xi32>
      %gather3A_240 = tpu.dynamic_gather %select_n3A_210[%gather3A] in [0] : vector<16xf32>, vector<16xi32> -> vector<16xf32>
      %select_n3A_241 = arith.select %lt3A_228, %gather3A_240, %broadcast_in_dim3A_27 : vector<16xf32>
      %lt3A_242 = arith.constant 0 : i32
      %lt3A_243 = vector.broadcast %lt3A_242 : i32 to vector<16xi32>
      %lt3A_244 = arith.cmpi slt, %broadcast_in_dim3A_231, %lt3A_243 : vector<16xi32>
      %add3A_245 = arith.constant 16 : i32
      %add3A_246 = vector.broadcast %add3A_245 : i32 to vector<16xi32>
      %add3A_247 = arith.addi %broadcast_in_dim3A_231, %add3A_246 : vector<16xi32>
      %select_n3A_248 = arith.select %lt3A_244, %add3A_247, %broadcast_in_dim3A_231 : vector<16xi1>, vector<16xi32>
      %broadcast_in_dim3A_249 = vector.shape_cast %select_n3A_248 : vector<16xi32> to vector<16x1xi32>
      %gather3A_250 = vector.shape_cast %broadcast_in_dim3A_249 : vector<16x1xi32> to vector<16xi32>
      %gather3A_251 = tpu.dynamic_gather %select_n3A_211[%gather3A_250] in [0] : vector<16xf32>, vector<16xi32> -> vector<16xf32>
      %select_n3A_252 = arith.select %lt3A_228, %gather3A_251, %broadcast_in_dim3A_29 : vector<16xf32>
      %lt3A_253 = arith.constant 0 : i32
      %lt3A_254 = vector.broadcast %lt3A_253 : i32 to vector<16xi32>
      %lt3A_255 = arith.cmpi slt, %broadcast_in_dim3A_231, %lt3A_254 : vector<16xi32>
      %add3A_256 = arith.constant 16 : i32
      %add3A_257 = vector.broadcast %add3A_256 : i32 to vector<16xi32>
      %add3A_258 = arith.addi %broadcast_in_dim3A_231, %add3A_257 : vector<16xi32>
      %select_n3A_259 = arith.select %lt3A_255, %add3A_258, %broadcast_in_dim3A_231 : vector<16xi1>, vector<16xi32>
      %broadcast_in_dim3A_260 = vector.shape_cast %select_n3A_259 : vector<16xi32> to vector<16x1xi32>
      %gather3A_261 = vector.shape_cast %broadcast_in_dim3A_260 : vector<16x1xi32> to vector<16xi32>
      %gather3A_262 = tpu.dynamic_gather %select_n3A_212[%gather3A_261] in [0] : vector<16xf32>, vector<16xi32> -> vector<16xf32>
      %select_n3A_263 = arith.select %lt3A_228, %gather3A_262, %broadcast_in_dim3A_27 : vector<16xf32>
      %lt3A_264 = arith.constant 0 : i32
      %lt3A_265 = vector.broadcast %lt3A_264 : i32 to vector<16xi32>
      %lt3A_266 = arith.cmpi slt, %broadcast_in_dim3A_231, %lt3A_265 : vector<16xi32>
      %add3A_267 = arith.constant 16 : i32
      %add3A_268 = vector.broadcast %add3A_267 : i32 to vector<16xi32>
      %add3A_269 = arith.addi %broadcast_in_dim3A_231, %add3A_268 : vector<16xi32>
      %select_n3A_270 = arith.select %lt3A_266, %add3A_269, %broadcast_in_dim3A_231 : vector<16xi1>, vector<16xi32>
      %broadcast_in_dim3A_271 = vector.shape_cast %select_n3A_270 : vector<16xi32> to vector<16x1xi32>
      %gather3A_272 = vector.shape_cast %broadcast_in_dim3A_271 : vector<16x1xi32> to vector<16xi32>
      %gather3A_273 = tpu.dynamic_gather %select_n3A_213[%gather3A_272] in [0] : vector<16xf32>, vector<16xi32> -> vector<16xf32>
      %select_n3A_274 = arith.select %lt3A_228, %gather3A_273, %broadcast_in_dim3A_29 : vector<16xf32>
      %eq3A_275 = arith.constant 16 : i32
      %eq3A_276 = arith.cmpi eq, %squeeze3A_217, %eq3A_275 : i32
      %jit3A_277 = arith.constant 0 : i32
      %select_n3A_278 = arith.select %lt3A_108, %squeeze3A_217, %jit3A_277 : i32
      %add3A_279 = arith.addi %while3A_102, %select_n3A_278 : i32
      %not3A = arith.constant true
      %not3A_280 = arith.xori %eq3A_276, %not3A : i1
      %and3A_281 = arith.andi %lt3A_108, %not3A_280 : i1
      %add3A_282 = arith.constant 1 : i32
      %add3A_283 = arith.addi %while3A_101, %add3A_282 : i32
      %select_n3A_284 = arith.select %and3A_281, %add3A_283, %while3A_101 : i32
      %convert_element_type3A_285 = arith.extui %and3A_281 : i1 to i32
      %cond3A_286 = arith.constant 0 : i32
      %cond3A_287 = arith.cmpi ne, %convert_element_type3A_285, %cond3A_286 : i32
      scf.if %cond3A_287 {
        %and3A_288 = arith.constant 1 : i32
        %and3A_289 = arith.andi %while3A_101, %and3A_288 : i32
        %sub3A_290 = arith.constant 1 : i32
        %sub3A_291 = arith.subi %sub3A_290, %and3A_289 : i32
        %mul3A_292 = arith.constant 2048 : i32
        %mul3A_293 = arith.muli %sub3A_291, %mul3A_292 : i32
        %multiple_of3A_294 = tpu.assume_multiple %mul3A_293, 8 : i32
        %dma_wait3A_295 = tpu.memref_slice %arg8[%multiple_of3A_294] : memref<4096xf32, #tpu.memory_space<vmem>> -> memref<2048xf32, #tpu.memory_space<vmem>>
        %dma_wait3A_296 = tpu.memref_slice %arg7[%multiple_of3A_294] : memref<4096xi32, #tpu.memory_space<vmem>> -> memref<2048xi32, #tpu.memory_space<vmem>>
        %dma_wait3A_297 = arith.constant 0 : i32
        %dma_wait3A_298 = tpu.memref_slice %arg4[%dma_wait3A_297] : memref<800000xf32, #tpu.memory_space<hbm>> -> memref<800000xf32, #tpu.memory_space<hbm>>
        tpu.wait_indirect_dma semaphore(%arg11 : memref<!tpu.dma_semaphore, #tpu.memory_space<semaphore_mem>>) src(%dma_wait3A_298 : memref<800000xf32, #tpu.memory_space<hbm>>) dst(%dma_wait3A_295 : memref<2048xf32, #tpu.memory_space<vmem>>)
        %dma_wait3A_299 = tpu.memref_slice %arg9[%multiple_of3A_294] : memref<4096xf32, #tpu.memory_space<vmem>> -> memref<2048xf32, #tpu.memory_space<vmem>>
        %dma_wait3A_300 = tpu.memref_slice %arg7[%multiple_of3A_294] : memref<4096xi32, #tpu.memory_space<vmem>> -> memref<2048xi32, #tpu.memory_space<vmem>>
        %dma_wait3A_301 = arith.constant 400000 : i32
        %dma_wait3A_302 = tpu.memref_slice %arg4[%dma_wait3A_301] : memref<800000xf32, #tpu.memory_space<hbm>> -> memref<400000xf32, #tpu.memory_space<hbm>>
        %dma_wait3A_303 = arith.constant 0 : i32
        %dma_wait3A_304 = tpu.memref_slice %dma_wait3A_302[%dma_wait3A_303] : memref<400000xf32, #tpu.memory_space<hbm>> -> memref<400000xf32, #tpu.memory_space<hbm>>
        tpu.wait_indirect_dma semaphore(%arg12 : memref<!tpu.dma_semaphore, #tpu.memory_space<semaphore_mem>>) src(%dma_wait3A_304 : memref<400000xf32, #tpu.memory_space<hbm>>) dst(%dma_wait3A_299 : memref<2048xf32, #tpu.memory_space<vmem>>)
        %add3A_305 = arith.constant 2048 : i32
        %add3A_306 = arith.addi %min3A_115, %add3A_305 : i32
        %min3A_307 = arith.constant 397952 : i32
        %min3A_308 = arith.minsi %add3A_306, %min3A_307 : i32
        %add3A_309 = arith.constant 2048 : i32
        %add3A_310 = arith.addi %min3A_308, %add3A_309 : i32
        %lt3A_311 = arith.cmpi slt, %add3A_310, %squeeze3A_26 : i32
        %convert_element_type3A_312 = arith.extui %lt3A_311 : i1 to i32
        %cond3A_313 = arith.constant 0 : i32
        %cond3A_314 = arith.cmpi ne, %convert_element_type3A_312, %cond3A_313 : i32
        scf.if %cond3A_314 {
          %add3A_315 = arith.constant 2048 : i32
          %add3A_316 = arith.addi %min3A_308, %add3A_315 : i32
          %min3A_317 = arith.constant 397952 : i32
          %min3A_318 = arith.minsi %add3A_316, %min3A_317 : i32
          %and3A_319 = arith.constant 1 : i32
          %and3A_320 = arith.andi %while3A_101, %and3A_319 : i32
          %mul3A_321 = arith.constant 2048 : i32
          %mul3A_322 = arith.muli %and3A_320, %mul3A_321 : i32
          %multiple_of3A_323 = tpu.assume_multiple %mul3A_322, 8 : i32
          %multiple_of3A_324 = tpu.assume_multiple %min3A_318, 8 : i32
          "tpu.region"() ({
            %run_scoped3A = tpu.sem_alloc : memref<!tpu.dma_semaphore, #tpu.memory_space<semaphore_mem>>
            %dma_start3A_335 = tpu.memref_slice %arg7[%multiple_of3A_323] : memref<4096xi32, #tpu.memory_space<vmem>> -> memref<2048xi32, #tpu.memory_space<vmem>>
            %dma_start3A_336 = tpu.memref_slice %arg3[%multiple_of3A_324] : memref<400000xi32, #tpu.memory_space<hbm>> -> memref<2048xi32, #tpu.memory_space<hbm>>
            %dma_start3A_337 = tpu.memref_slice %arg7[%multiple_of3A_323] : memref<4096xi32, #tpu.memory_space<vmem>> -> memref<2048xi32, #tpu.memory_space<vmem>>
            %dma_start3A_338 = tpu.memref_slice %arg3[%multiple_of3A_324] : memref<400000xi32, #tpu.memory_space<hbm>> -> memref<2048xi32, #tpu.memory_space<hbm>>
            tpu.enqueue_dma source(%dma_start3A_338 : memref<2048xi32, #tpu.memory_space<hbm>>) target(%dma_start3A_337 : memref<2048xi32, #tpu.memory_space<vmem>>) target_semaphore(%run_scoped3A : memref<!tpu.dma_semaphore, #tpu.memory_space<semaphore_mem>>)
            %dma_wait3A_339 = tpu.memref_slice %arg7[%multiple_of3A_323] : memref<4096xi32, #tpu.memory_space<vmem>> -> memref<2048xi32, #tpu.memory_space<vmem>>
            %dma_wait3A_340 = tpu.memref_slice %arg3[%multiple_of3A_324] : memref<400000xi32, #tpu.memory_space<hbm>> -> memref<2048xi32, #tpu.memory_space<hbm>>
            %dma_wait3A_341 = tpu.memref_slice %arg7[%multiple_of3A_323] : memref<4096xi32, #tpu.memory_space<vmem>> -> memref<2048xi32, #tpu.memory_space<vmem>>
            %dma_wait3A_342 = tpu.memref_slice %arg3[%multiple_of3A_324] : memref<400000xi32, #tpu.memory_space<hbm>> -> memref<2048xi32, #tpu.memory_space<hbm>>
            tpu.wait_dma2 semaphore(%run_scoped3A : memref<!tpu.dma_semaphore, #tpu.memory_space<semaphore_mem>>) src(%dma_wait3A_342 : memref<2048xi32, #tpu.memory_space<hbm>>) dst(%dma_wait3A_341 : memref<2048xi32, #tpu.memory_space<vmem>>)
            tpu.yield
          }) : () -> ()
          %dma_start3A_325 = tpu.memref_slice %arg8[%multiple_of3A_323] : memref<4096xf32, #tpu.memory_space<vmem>> -> memref<2048xf32, #tpu.memory_space<vmem>>
          %dma_start3A_326 = tpu.memref_slice %arg7[%multiple_of3A_323] : memref<4096xi32, #tpu.memory_space<vmem>> -> memref<2048xi32, #tpu.memory_space<vmem>>
          %dma_start3A_327 = arith.constant 0 : i32
          %dma_start3A_328 = tpu.memref_slice %arg4[%dma_start3A_327] : memref<800000xf32, #tpu.memory_space<hbm>> -> memref<800000xf32, #tpu.memory_space<hbm>>
          tpu.enqueue_indirect_dma source(%dma_start3A_328 : memref<800000xf32, #tpu.memory_space<hbm>>) target(%dma_start3A_325 : memref<2048xf32, #tpu.memory_space<vmem>>) offsets(%dma_start3A_326 : memref<2048xi32, #tpu.memory_space<vmem>>) semaphore(%arg11 : memref<!tpu.dma_semaphore, #tpu.memory_space<semaphore_mem>>)
          %dma_start3A_329 = tpu.memref_slice %arg9[%multiple_of3A_323] : memref<4096xf32, #tpu.memory_space<vmem>> -> memref<2048xf32, #tpu.memory_space<vmem>>
          %dma_start3A_330 = tpu.memref_slice %arg7[%multiple_of3A_323] : memref<4096xi32, #tpu.memory_space<vmem>> -> memref<2048xi32, #tpu.memory_space<vmem>>
          %dma_start3A_331 = arith.constant 400000 : i32
          %dma_start3A_332 = tpu.memref_slice %arg4[%dma_start3A_331] : memref<800000xf32, #tpu.memory_space<hbm>> -> memref<400000xf32, #tpu.memory_space<hbm>>
          %dma_start3A_333 = arith.constant 0 : i32
          %dma_start3A_334 = tpu.memref_slice %dma_start3A_332[%dma_start3A_333] : memref<400000xf32, #tpu.memory_space<hbm>> -> memref<400000xf32, #tpu.memory_space<hbm>>
          tpu.enqueue_indirect_dma source(%dma_start3A_334 : memref<400000xf32, #tpu.memory_space<hbm>>) target(%dma_start3A_329 : memref<2048xf32, #tpu.memory_space<vmem>>) offsets(%dma_start3A_330 : memref<2048xi32, #tpu.memory_space<vmem>>) semaphore(%arg12 : memref<!tpu.dma_semaphore, #tpu.memory_space<semaphore_mem>>)
        } else {
        }
      } else {
      }
      scf.yield %select_n3A_284, %add3A_279, %select_n3A_241, %select_n3A_252, %select_n3A_263, %select_n3A_274 : i32, i32, vector<16xf32>, vector<16xf32>, vector<16xf32>, vector<16xf32>
    }
    %while3A_98 = arith.constant 1 : i32
    %while3A_99:6 = scf.for %while3A_100 = %while3A_95 to %while3A_91 step %while3A_98 iter_args(%while3A_101 = %while3A_97#0, %while3A_102 = %while3A_97#1, %while3A_103 = %while3A_97#2, %while3A_104 = %while3A_97#3, %while3A_105 = %while3A_97#4, %while3A_106 = %while3A_97#5) -> (i32, i32, vector<16xf32>, vector<16xf32>, vector<16xf32>, vector<16xf32>)  : i32 {
      %lt3A_107 = arith.constant 3128 : i32
      %lt3A_108 = arith.cmpi slt, %while3A_102, %lt3A_107 : i32
      %min3A_109 = arith.constant 3128 : i32
      %min3A_110 = arith.minsi %while3A_102, %min3A_109 : i32
      %mul3A_111 = arith.constant 2048 : i32
      %mul3A_112 = arith.muli %while3A_101, %mul3A_111 : i32
      %add3A_113 = arith.addi %min3A_22, %mul3A_112 : i32
      %min3A_114 = arith.constant 397952 : i32
      %min3A_115 = arith.minsi %add3A_113, %min3A_114 : i32
      %add3A_116 = arith.constant 2048 : i32
      %add3A_117 = arith.addi %min3A_115, %add3A_116 : i32
      %get3A_118 = arith.index_cast %min3A_110 : i32 to index
      %get3A_119 = tpu.vector_load %arg6[%get3A_118] {strides = array<i32>} : memref<3168xi32, #tpu.memory_space<vmem>>, vector<16xi32>,
      %add3A_120 = arith.constant 1 : i32
      %add3A_121 = arith.addi %min3A_110, %add3A_120 : i32
      %get3A_122 = arith.index_cast %add3A_121 : i32 to index
      %get3A_123 = tpu.vector_load %arg6[%get3A_122] {strides = array<i32>} : memref<3168xi32, #tpu.memory_space<vmem>>, vector<16xi32>,
      %sub3A_124 = arith.subi %get3A_123, %get3A_119 : vector<16xi32>
      %ge3A = arith.constant 2 : i32
      %ge3A_125 = vector.broadcast %ge3A : i32 to vector<16xi32>
      %ge3A_126 = arith.cmpi sge, %sub3A_124, %ge3A_125 : vector<16xi32>
      %le3A = arith.constant 100 : i32
      %le3A_127 = vector.broadcast %le3A : i32 to vector<16xi32>
      %le3A_128 = arith.cmpi sle, %sub3A_124, %le3A_127 : vector<16xi32>
      %and3A_129 = arith.andi %ge3A_126, %le3A_128 : vector<16xi1>
      %max3A = vector.broadcast %min3A_115 : i32 to vector<16xi32>
      %max3A_130 = arith.maxsi %get3A_119, %max3A : vector<16xi32>
      %min3A_131 = vector.broadcast %add3A_117 : i32 to vector<16xi32>
      %min3A_132 = arith.minsi %get3A_123, %min3A_131 : vector<16xi32>
      %sub3A_133 = arith.subi %min3A_132, %max3A_130 : vector<16xi32>
      %max3A_134 = arith.constant 0 : i32
      %max3A_135 = vector.broadcast %max3A_134 : i32 to vector<16xi32>
      %max3A_136 = arith.maxsi %sub3A_133, %max3A_135 : vector<16xi32>
      %jit3A_137 = arith.constant 0 : i32
      %broadcast_in_dim3A_138 = vector.broadcast %jit3A_137 : i32 to vector<16xi32>
      %select_n3A_139 = arith.select %and3A_129, %max3A_136, %broadcast_in_dim3A_138 : vector<16xi1>, vector<16xi32>
      %and3A_140 = arith.constant 1 : i32
      %and3A_141 = arith.andi %while3A_101, %and3A_140 : i32
      %mul3A_142 = arith.constant 2048 : i32
      %mul3A_143 = arith.muli %and3A_141, %mul3A_142 : i32
      %sub3A_144 = vector.broadcast %min3A_115 : i32 to vector<16xi32>
      %sub3A_145 = arith.subi %max3A_130, %sub3A_144 : vector<16xi32>
      %add3A_146 = vector.broadcast %mul3A_143 : i32 to vector<16xi32>
      %add3A_147 = arith.addi %sub3A_145, %add3A_146 : vector<16xi32>
      %eq3A = arith.constant 0 : i32
      %eq3A_148 = vector.broadcast %eq3A : i32 to vector<16xi32>
      %eq3A_149 = arith.cmpi eq, %iota3A, %eq3A_148 : vector<16xi32>
      %select_n3A_150 = arith.select %eq3A_149, %while3A_103, %broadcast_in_dim3A_27 : vector<16xi1>, vector<16xf32>
      %select_n3A_151 = arith.select %eq3A_149, %while3A_104, %broadcast_in_dim3A_29 : vector<16xi1>, vector<16xf32>
      %select_n3A_152 = arith.select %eq3A_149, %while3A_105, %broadcast_in_dim3A_27 : vector<16xi1>, vector<16xf32>
      %select_n3A_153 = arith.select %eq3A_149, %while3A_106, %broadcast_in_dim3A_29 : vector<16xi1>, vector<16xf32>
      %reduce_max3A = arith.constant true
      %reduce_max3A_154 = vector.broadcast %reduce_max3A : i1 to vector<16xi1>
      %reduce_max3A_155 = arith.constant -2147483648 : i32
      %reduce_max3A_156 = vector.broadcast %reduce_max3A_155 : i32 to vector<16xi32>
      %reduce_max3A_157 = arith.xori %select_n3A_139, %reduce_max3A_156 : vector<16xi32>
      %reduce_max3A_158 = tpu.scan <max>, %reduce_max3A_157 masked %reduce_max3A_154 : vector<16xi32>, vector<16xi1> -> vector<16xi32>
      %reduce_max3A_159 = arith.xori %reduce_max3A_158, %reduce_max3A_156 : vector<16xi32>
      %reduce_max3A_160 = vector.extract %reduce_max3A_159[15] : i32 from vector<16xi32>
      %gt3A = arith.constant 0 : i32
      %gt3A_161 = vector.broadcast %gt3A : i32 to vector<16xi32>
      %gt3A_162 = arith.cmpi sgt, %select_n3A_139, %gt3A_161 : vector<16xi32>
      %sub3A_163 = arith.constant 1 : i32
      %sub3A_164 = vector.broadcast %sub3A_163 : i32 to vector<16xi32>
      %sub3A_165 = arith.subi %select_n3A_139, %sub3A_164 : vector<16xi32>
      %max3A_166 = arith.constant 0 : i32
      %max3A_167 = vector.broadcast %max3A_166 : i32 to vector<16xi32>
      %max3A_168 = arith.maxsi %sub3A_165, %max3A_167 : vector<16xi32>
      %add3A_169 = arith.addi %add3A_147, %max3A_168 : vector<16xi32>
      %min3A_170 = arith.constant 4095 : i32
      %min3A_171 = vector.broadcast %min3A_170 : i32 to vector<16xi32>
      %min3A_172 = arith.minsi %add3A_169, %min3A_171 : vector<16xi32>
      %add3A_173 = arith.constant 1 : i32
      %add3A_174 = arith.addi %reduce_max3A_160, %add3A_173 : i32
      %jit3A_175 = arith.constant 2 : i32
      %div3A_176 = arith.divsi %add3A_174, %jit3A_175 : i32
      %sign3A_177 = arith.constant 0 : i32
      %sign3A_178 = arith.cmpi sgt, %add3A_174, %sign3A_177 : i32
      %sign3A_179 = arith.extui %sign3A_178 : i1 to i32
      %sign3A_180 = arith.constant 0 : i32
      %sign3A_181 = arith.cmpi slt, %add3A_174, %sign3A_180 : i32
      %sign3A_182 = arith.extui %sign3A_181 : i1 to i32
      %sign3A_183 = arith.subi %sign3A_179, %sign3A_182 : i32
      %sign3A_184 = arith.constant 0 : i32
      %sign3A_185 = arith.cmpi sgt, %jit3A_175, %sign3A_184 : i32
      %sign3A_186 = arith.extui %sign3A_185 : i1 to i32
      %sign3A_187 = arith.constant 0 : i32
      %sign3A_188 = arith.cmpi slt, %jit3A_175, %sign3A_187 : i32
      %sign3A_189 = arith.extui %sign3A_188 : i1 to i32
      %sign3A_190 = arith.subi %sign3A_186, %sign3A_189 : i32
      %ne3A_191 = arith.cmpi ne, %sign3A_183, %sign3A_190 : i32
      %rem3A_192 = arith.remsi %add3A_174, %jit3A_175 : i32
      %ne3A_193 = arith.constant 0 : i32
      %ne3A_194 = arith.cmpi ne, %rem3A_192, %ne3A_193 : i32
      %and3A_195 = arith.andi %ne3A_191, %ne3A_194 : i1
      %sub3A_196 = arith.constant 1 : i32
      %sub3A_197 = arith.subi %div3A_176, %sub3A_196 : i32
      %select_n3A_198 = arith.select %and3A_195, %sub3A_197, %div3A_176 : i32
      %while3A_199 = arith.constant 0 : i32
      %while3A_200 = arith.subi %select_n3A_198, %while3A_199 : i32
      %while3A_201 = arith.addi %while3A_199, %while3A_200 : i32
      %while3A_202 = arith.constant 1 : i32
      %while3A_203 = arith.divsi %while3A_200, %while3A_202 : i32
      %while3A_204 = arith.muli %while3A_203, %while3A_202 : i32
      %while3A_205 = arith.addi %while3A_199, %while3A_204 : i32
      %while3A_206 = arith.constant 1 : i32
      %while3A_207:4 = scf.for %while3A_288 = %while3A_199 to %while3A_205 step %while3A_206 iter_args(%while3A_289 = %select_n3A_150, %while3A_290 = %select_n3A_151, %while3A_291 = %select_n3A_152, %while3A_292 = %select_n3A_153) -> (vector<16xf32>, vector<16xf32>, vector<16xf32>, vector<16xf32>)  : i32 {
        %mul3A_293 = arith.constant 2 : i32
        %mul3A_294 = arith.muli %mul3A_293, %while3A_288 : i32
        %add3A_295 = vector.broadcast %mul3A_294 : i32 to vector<16xi32>
        %add3A_296 = arith.addi %add3A_147, %add3A_295 : vector<16xi32>
        %min3A_297 = arith.minsi %add3A_296, %min3A_172 : vector<16xi32>
        %add3A_298 = arith.constant 1 : i32
        %add3A_299 = vector.broadcast %add3A_298 : i32 to vector<16xi32>
        %add3A_300 = arith.addi %min3A_297, %add3A_299 : vector<16xi32>
        %min3A_301 = arith.minsi %add3A_300, %min3A_172 : vector<16xi32>
        %gather3A_302 = tpu.vector_load_idx %arg8[%min3A_297] : memref<4096xf32, #tpu.memory_space<vmem>>[vector<16xi32>], vector<16xf32>,
        %gather3A_303 = tpu.vector_load_idx %arg9[%min3A_297] : memref<4096xf32, #tpu.memory_space<vmem>>[vector<16xi32>], vector<16xf32>,
        %gather3A_304 = tpu.vector_load_idx %arg8[%min3A_301] : memref<4096xf32, #tpu.memory_space<vmem>>[vector<16xi32>], vector<16xf32>,
        %gather3A_305 = tpu.vector_load_idx %arg9[%min3A_301] : memref<4096xf32, #tpu.memory_space<vmem>>[vector<16xi32>], vector<16xf32>,
        %max3A_306 = arith.maximumf %gather3A_302, %gather3A_304 : vector<16xf32>
        %max3A_307 = arith.maximumf %while3A_289, %max3A_306 : vector<16xf32>
        %min3A_308 = arith.minimumf %gather3A_302, %gather3A_304 : vector<16xf32>
        %min3A_309 = arith.minimumf %while3A_290, %min3A_308 : vector<16xf32>
        %max3A_310 = arith.maximumf %gather3A_303, %gather3A_305 : vector<16xf32>
        %max3A_311 = arith.maximumf %while3A_291, %max3A_310 : vector<16xf32>
        %min3A_312 = arith.minimumf %gather3A_303, %gather3A_305 : vector<16xf32>
        %min3A_313 = arith.minimumf %while3A_292, %min3A_312 : vector<16xf32>
        scf.yield %max3A_307, %min3A_309, %max3A_311, %min3A_313 : vector<16xf32>, vector<16xf32>, vector<16xf32>, vector<16xf32>
      }
      %while3A_208 = arith.constant 1 : i32
      %while3A_209:4 = scf.for %while3A_288 = %while3A_205 to %while3A_201 step %while3A_208 iter_args(%while3A_289 = %while3A_207#0, %while3A_290 = %while3A_207#1, %while3A_291 = %while3A_207#2, %while3A_292 = %while3A_207#3) -> (vector<16xf32>, vector<16xf32>, vector<16xf32>, vector<16xf32>)  : i32 {
        %mul3A_293 = arith.constant 2 : i32
        %mul3A_294 = arith.muli %mul3A_293, %while3A_288 : i32
        %add3A_295 = vector.broadcast %mul3A_294 : i32 to vector<16xi32>
        %add3A_296 = arith.addi %add3A_147, %add3A_295 : vector<16xi32>
        %min3A_297 = arith.minsi %add3A_296, %min3A_172 : vector<16xi32>
        %add3A_298 = arith.constant 1 : i32
        %add3A_299 = vector.broadcast %add3A_298 : i32 to vector<16xi32>
        %add3A_300 = arith.addi %min3A_297, %add3A_299 : vector<16xi32>
        %min3A_301 = arith.minsi %add3A_300, %min3A_172 : vector<16xi32>
        %gather3A_302 = tpu.vector_load_idx %arg8[%min3A_297] : memref<4096xf32, #tpu.memory_space<vmem>>[vector<16xi32>], vector<16xf32>,
        %gather3A_303 = tpu.vector_load_idx %arg9[%min3A_297] : memref<4096xf32, #tpu.memory_space<vmem>>[vector<16xi32>], vector<16xf32>,
        %gather3A_304 = tpu.vector_load_idx %arg8[%min3A_301] : memref<4096xf32, #tpu.memory_space<vmem>>[vector<16xi32>], vector<16xf32>,
        %gather3A_305 = tpu.vector_load_idx %arg9[%min3A_301] : memref<4096xf32, #tpu.memory_space<vmem>>[vector<16xi32>], vector<16xf32>,
        %max3A_306 = arith.maximumf %gather3A_302, %gather3A_304 : vector<16xf32>
        %max3A_307 = arith.maximumf %while3A_289, %max3A_306 : vector<16xf32>
        %min3A_308 = arith.minimumf %gather3A_302, %gather3A_304 : vector<16xf32>
        %min3A_309 = arith.minimumf %while3A_290, %min3A_308 : vector<16xf32>
        %max3A_310 = arith.maximumf %gather3A_303, %gather3A_305 : vector<16xf32>
        %max3A_311 = arith.maximumf %while3A_291, %max3A_310 : vector<16xf32>
        %min3A_312 = arith.minimumf %gather3A_303, %gather3A_305 : vector<16xf32>
        %min3A_313 = arith.minimumf %while3A_292, %min3A_312 : vector<16xf32>
        scf.yield %max3A_307, %min3A_309, %max3A_311, %min3A_313 : vector<16xf32>, vector<16xf32>, vector<16xf32>, vector<16xf32>
      }
      %select_n3A_210 = arith.select %gt3A_162, %while3A_209#0, %select_n3A_150 : vector<16xi1>, vector<16xf32>
      %select_n3A_211 = arith.select %gt3A_162, %while3A_209#1, %select_n3A_151 : vector<16xi1>, vector<16xf32>
      %select_n3A_212 = arith.select %gt3A_162, %while3A_209#2, %select_n3A_152 : vector<16xi1>, vector<16xf32>
      %select_n3A_213 = arith.select %gt3A_162, %while3A_209#3, %select_n3A_153 : vector<16xi1>, vector<16xf32>
      %le3A_214 = vector.broadcast %add3A_117 : i32 to vector<16xi32>
      %le3A_215 = arith.cmpi sle, %get3A_123, %le3A_214 : vector<16xi32>
      %all_reduce_population_count3A = tpu.all_reduce %le3A_215 {dim = 0 : i64, kind = #tpu.reduction_kind<sum>} : vector<16xi1> -> vector<16xi32>
      %slice3A_216 = vector.extract_strided_slice %all_reduce_population_count3A {offsets = [0], sizes = [1], strides = [1]} : vector<16xi32> to vector<1xi32>
      %squeeze3A_217 = vector.extract %slice3A_216[0] : i32 from vector<1xi32>
      %sub3A_218 = arith.subf %select_n3A_210, %select_n3A_211 : vector<16xf32>
      %sub3A_219 = arith.subf %select_n3A_212, %select_n3A_213 : vector<16xf32>
      %add3A_220 = arith.addf %sub3A_218, %sub3A_219 : vector<16xf32>
      %broadcast_in_dim3A_221 = arith.constant 0.000000e+00 : f32
      %broadcast_in_dim3A_222 = vector.broadcast %broadcast_in_dim3A_221 : f32 to vector<16xf32>
      %select_n3A_223 = arith.select %and3A_129, %add3A_220, %broadcast_in_dim3A_222 : vector<16xi1>, vector<16xf32>
      %convert_element_type3A_224 = arith.extui %lt3A_108 : i1 to i32
      %cond3A_225 = arith.constant 0 : i32
      %cond3A_226 = arith.cmpi ne, %convert_element_type3A_224, %cond3A_225 : i32
      scf.if %cond3A_226 {
        %swap3A = arith.index_cast %min3A_110 : i32 to index
        %swap3A_288 = tpu.vector_load %arg10[%swap3A] {strides = array<i32>} : memref<3144xf32, #tpu.memory_space<vmem>>, vector<16xf32>,
        tpu.vector_store %arg10[%swap3A], %select_n3A_223 {strides = array<i32>} : memref<3144xf32, #tpu.memory_space<vmem>>, vector<16xf32>,
      } else {
      }
      %lt3A_227 = arith.constant 16 : i32
      %lt3A_228 = arith.cmpi slt, %squeeze3A_217, %lt3A_227 : i32
      %min3A_229 = arith.constant 15 : i32
      %min3A_230 = arith.minsi %squeeze3A_217, %min3A_229 : i32
      %broadcast_in_dim3A_231 = vector.broadcast %min3A_230 : i32 to vector<16xi32>
      %lt3A_232 = arith.constant 0 : i32
      %lt3A_233 = vector.broadcast %lt3A_232 : i32 to vector<16xi32>
      %lt3A_234 = arith.cmpi slt, %broadcast_in_dim3A_231, %lt3A_233 : vector<16xi32>
      %add3A_235 = arith.constant 16 : i32
      %add3A_236 = vector.broadcast %add3A_235 : i32 to vector<16xi32>
      %add3A_237 = arith.addi %broadcast_in_dim3A_231, %add3A_236 : vector<16xi32>
      %select_n3A_238 = arith.select %lt3A_234, %add3A_237, %broadcast_in_dim3A_231 : vector<16xi1>, vector<16xi32>
      %broadcast_in_dim3A_239 = vector.shape_cast %select_n3A_238 : vector<16xi32> to vector<16x1xi32>
      %gather3A = vector.shape_cast %broadcast_in_dim3A_239 : vector<16x1xi32> to vector<16xi32>
      %gather3A_240 = tpu.dynamic_gather %select_n3A_210[%gather3A] in [0] : vector<16xf32>, vector<16xi32> -> vector<16xf32>
      %select_n3A_241 = arith.select %lt3A_228, %gather3A_240, %broadcast_in_dim3A_27 : vector<16xf32>
      %lt3A_242 = arith.constant 0 : i32
      %lt3A_243 = vector.broadcast %lt3A_242 : i32 to vector<16xi32>
      %lt3A_244 = arith.cmpi slt, %broadcast_in_dim3A_231, %lt3A_243 : vector<16xi32>
      %add3A_245 = arith.constant 16 : i32
      %add3A_246 = vector.broadcast %add3A_245 : i32 to vector<16xi32>
      %add3A_247 = arith.addi %broadcast_in_dim3A_231, %add3A_246 : vector<16xi32>
      %select_n3A_248 = arith.select %lt3A_244, %add3A_247, %broadcast_in_dim3A_231 : vector<16xi1>, vector<16xi32>
      %broadcast_in_dim3A_249 = vector.shape_cast %select_n3A_248 : vector<16xi32> to vector<16x1xi32>
      %gather3A_250 = vector.shape_cast %broadcast_in_dim3A_249 : vector<16x1xi32> to vector<16xi32>
      %gather3A_251 = tpu.dynamic_gather %select_n3A_211[%gather3A_250] in [0] : vector<16xf32>, vector<16xi32> -> vector<16xf32>
      %select_n3A_252 = arith.select %lt3A_228, %gather3A_251, %broadcast_in_dim3A_29 : vector<16xf32>
      %lt3A_253 = arith.constant 0 : i32
      %lt3A_254 = vector.broadcast %lt3A_253 : i32 to vector<16xi32>
      %lt3A_255 = arith.cmpi slt, %broadcast_in_dim3A_231, %lt3A_254 : vector<16xi32>
      %add3A_256 = arith.constant 16 : i32
      %add3A_257 = vector.broadcast %add3A_256 : i32 to vector<16xi32>
      %add3A_258 = arith.addi %broadcast_in_dim3A_231, %add3A_257 : vector<16xi32>
      %select_n3A_259 = arith.select %lt3A_255, %add3A_258, %broadcast_in_dim3A_231 : vector<16xi1>, vector<16xi32>
      %broadcast_in_dim3A_260 = vector.shape_cast %select_n3A_259 : vector<16xi32> to vector<16x1xi32>
      %gather3A_261 = vector.shape_cast %broadcast_in_dim3A_260 : vector<16x1xi32> to vector<16xi32>
      %gather3A_262 = tpu.dynamic_gather %select_n3A_212[%gather3A_261] in [0] : vector<16xf32>, vector<16xi32> -> vector<16xf32>
      %select_n3A_263 = arith.select %lt3A_228, %gather3A_262, %broadcast_in_dim3A_27 : vector<16xf32>
      %lt3A_264 = arith.constant 0 : i32
      %lt3A_265 = vector.broadcast %lt3A_264 : i32 to vector<16xi32>
      %lt3A_266 = arith.cmpi slt, %broadcast_in_dim3A_231, %lt3A_265 : vector<16xi32>
      %add3A_267 = arith.constant 16 : i32
      %add3A_268 = vector.broadcast %add3A_267 : i32 to vector<16xi32>
      %add3A_269 = arith.addi %broadcast_in_dim3A_231, %add3A_268 : vector<16xi32>
      %select_n3A_270 = arith.select %lt3A_266, %add3A_269, %broadcast_in_dim3A_231 : vector<16xi1>, vector<16xi32>
      %broadcast_in_dim3A_271 = vector.shape_cast %select_n3A_270 : vector<16xi32> to vector<16x1xi32>
      %gather3A_272 = vector.shape_cast %broadcast_in_dim3A_271 : vector<16x1xi32> to vector<16xi32>
      %gather3A_273 = tpu.dynamic_gather %select_n3A_213[%gather3A_272] in [0] : vector<16xf32>, vector<16xi32> -> vector<16xf32>
      %select_n3A_274 = arith.select %lt3A_228, %gather3A_273, %broadcast_in_dim3A_29 : vector<16xf32>
      %eq3A_275 = arith.constant 16 : i32
      %eq3A_276 = arith.cmpi eq, %squeeze3A_217, %eq3A_275 : i32
      %jit3A_277 = arith.constant 0 : i32
      %select_n3A_278 = arith.select %lt3A_108, %squeeze3A_217, %jit3A_277 : i32
      %add3A_279 = arith.addi %while3A_102, %select_n3A_278 : i32
      %not3A = arith.constant true
      %not3A_280 = arith.xori %eq3A_276, %not3A : i1
      %and3A_281 = arith.andi %lt3A_108, %not3A_280 : i1
      %add3A_282 = arith.constant 1 : i32
      %add3A_283 = arith.addi %while3A_101, %add3A_282 : i32
      %select_n3A_284 = arith.select %and3A_281, %add3A_283, %while3A_101 : i32
      %convert_element_type3A_285 = arith.extui %and3A_281 : i1 to i32
      %cond3A_286 = arith.constant 0 : i32
      %cond3A_287 = arith.cmpi ne, %convert_element_type3A_285, %cond3A_286 : i32
      scf.if %cond3A_287 {
        %and3A_288 = arith.constant 1 : i32
        %and3A_289 = arith.andi %while3A_101, %and3A_288 : i32
        %sub3A_290 = arith.constant 1 : i32
        %sub3A_291 = arith.subi %sub3A_290, %and3A_289 : i32
        %mul3A_292 = arith.constant 2048 : i32
        %mul3A_293 = arith.muli %sub3A_291, %mul3A_292 : i32
        %multiple_of3A_294 = tpu.assume_multiple %mul3A_293, 8 : i32
        %dma_wait3A_295 = tpu.memref_slice %arg8[%multiple_of3A_294] : memref<4096xf32, #tpu.memory_space<vmem>> -> memref<2048xf32, #tpu.memory_space<vmem>>
        %dma_wait3A_296 = tpu.memref_slice %arg7[%multiple_of3A_294] : memref<4096xi32, #tpu.memory_space<vmem>> -> memref<2048xi32, #tpu.memory_space<vmem>>
        %dma_wait3A_297 = arith.constant 0 : i32
        %dma_wait3A_298 = tpu.memref_slice %arg4[%dma_wait3A_297] : memref<800000xf32, #tpu.memory_space<hbm>> -> memref<800000xf32, #tpu.memory_space<hbm>>
        tpu.wait_indirect_dma semaphore(%arg11 : memref<!tpu.dma_semaphore, #tpu.memory_space<semaphore_mem>>) src(%dma_wait3A_298 : memref<800000xf32, #tpu.memory_space<hbm>>) dst(%dma_wait3A_295 : memref<2048xf32, #tpu.memory_space<vmem>>)
        %dma_wait3A_299 = tpu.memref_slice %arg9[%multiple_of3A_294] : memref<4096xf32, #tpu.memory_space<vmem>> -> memref<2048xf32, #tpu.memory_space<vmem>>
        %dma_wait3A_300 = tpu.memref_slice %arg7[%multiple_of3A_294] : memref<4096xi32, #tpu.memory_space<vmem>> -> memref<2048xi32, #tpu.memory_space<vmem>>
        %dma_wait3A_301 = arith.constant 400000 : i32
        %dma_wait3A_302 = tpu.memref_slice %arg4[%dma_wait3A_301] : memref<800000xf32, #tpu.memory_space<hbm>> -> memref<400000xf32, #tpu.memory_space<hbm>>
        %dma_wait3A_303 = arith.constant 0 : i32
        %dma_wait3A_304 = tpu.memref_slice %dma_wait3A_302[%dma_wait3A_303] : memref<400000xf32, #tpu.memory_space<hbm>> -> memref<400000xf32, #tpu.memory_space<hbm>>
        tpu.wait_indirect_dma semaphore(%arg12 : memref<!tpu.dma_semaphore, #tpu.memory_space<semaphore_mem>>) src(%dma_wait3A_304 : memref<400000xf32, #tpu.memory_space<hbm>>) dst(%dma_wait3A_299 : memref<2048xf32, #tpu.memory_space<vmem>>)
        %add3A_305 = arith.constant 2048 : i32
        %add3A_306 = arith.addi %min3A_115, %add3A_305 : i32
        %min3A_307 = arith.constant 397952 : i32
        %min3A_308 = arith.minsi %add3A_306, %min3A_307 : i32
        %add3A_309 = arith.constant 2048 : i32
        %add3A_310 = arith.addi %min3A_308, %add3A_309 : i32
        %lt3A_311 = arith.cmpi slt, %add3A_310, %squeeze3A_26 : i32
        %convert_element_type3A_312 = arith.extui %lt3A_311 : i1 to i32
        %cond3A_313 = arith.constant 0 : i32
        %cond3A_314 = arith.cmpi ne, %convert_element_type3A_312, %cond3A_313 : i32
        scf.if %cond3A_314 {
          %add3A_315 = arith.constant 2048 : i32
          %add3A_316 = arith.addi %min3A_308, %add3A_315 : i32
          %min3A_317 = arith.constant 397952 : i32
          %min3A_318 = arith.minsi %add3A_316, %min3A_317 : i32
          %and3A_319 = arith.constant 1 : i32
          %and3A_320 = arith.andi %while3A_101, %and3A_319 : i32
          %mul3A_321 = arith.constant 2048 : i32
          %mul3A_322 = arith.muli %and3A_320, %mul3A_321 : i32
          %multiple_of3A_323 = tpu.assume_multiple %mul3A_322, 8 : i32
          %multiple_of3A_324 = tpu.assume_multiple %min3A_318, 8 : i32
          "tpu.region"() ({
            %run_scoped3A = tpu.sem_alloc : memref<!tpu.dma_semaphore, #tpu.memory_space<semaphore_mem>>
            %dma_start3A_335 = tpu.memref_slice %arg7[%multiple_of3A_323] : memref<4096xi32, #tpu.memory_space<vmem>> -> memref<2048xi32, #tpu.memory_space<vmem>>
            %dma_start3A_336 = tpu.memref_slice %arg3[%multiple_of3A_324] : memref<400000xi32, #tpu.memory_space<hbm>> -> memref<2048xi32, #tpu.memory_space<hbm>>
            %dma_start3A_337 = tpu.memref_slice %arg7[%multiple_of3A_323] : memref<4096xi32, #tpu.memory_space<vmem>> -> memref<2048xi32, #tpu.memory_space<vmem>>
            %dma_start3A_338 = tpu.memref_slice %arg3[%multiple_of3A_324] : memref<400000xi32, #tpu.memory_space<hbm>> -> memref<2048xi32, #tpu.memory_space<hbm>>
            tpu.enqueue_dma source(%dma_start3A_338 : memref<2048xi32, #tpu.memory_space<hbm>>) target(%dma_start3A_337 : memref<2048xi32, #tpu.memory_space<vmem>>) target_semaphore(%run_scoped3A : memref<!tpu.dma_semaphore, #tpu.memory_space<semaphore_mem>>)
            %dma_wait3A_339 = tpu.memref_slice %arg7[%multiple_of3A_323] : memref<4096xi32, #tpu.memory_space<vmem>> -> memref<2048xi32, #tpu.memory_space<vmem>>
            %dma_wait3A_340 = tpu.memref_slice %arg3[%multiple_of3A_324] : memref<400000xi32, #tpu.memory_space<hbm>> -> memref<2048xi32, #tpu.memory_space<hbm>>
            %dma_wait3A_341 = tpu.memref_slice %arg7[%multiple_of3A_323] : memref<4096xi32, #tpu.memory_space<vmem>> -> memref<2048xi32, #tpu.memory_space<vmem>>
            %dma_wait3A_342 = tpu.memref_slice %arg3[%multiple_of3A_324] : memref<400000xi32, #tpu.memory_space<hbm>> -> memref<2048xi32, #tpu.memory_space<hbm>>
            tpu.wait_dma2 semaphore(%run_scoped3A : memref<!tpu.dma_semaphore, #tpu.memory_space<semaphore_mem>>) src(%dma_wait3A_342 : memref<2048xi32, #tpu.memory_space<hbm>>) dst(%dma_wait3A_341 : memref<2048xi32, #tpu.memory_space<vmem>>)
            tpu.yield
          }) : () -> ()
          %dma_start3A_325 = tpu.memref_slice %arg8[%multiple_of3A_323] : memref<4096xf32, #tpu.memory_space<vmem>> -> memref<2048xf32, #tpu.memory_space<vmem>>
          %dma_start3A_326 = tpu.memref_slice %arg7[%multiple_of3A_323] : memref<4096xi32, #tpu.memory_space<vmem>> -> memref<2048xi32, #tpu.memory_space<vmem>>
          %dma_start3A_327 = arith.constant 0 : i32
          %dma_start3A_328 = tpu.memref_slice %arg4[%dma_start3A_327] : memref<800000xf32, #tpu.memory_space<hbm>> -> memref<800000xf32, #tpu.memory_space<hbm>>
          tpu.enqueue_indirect_dma source(%dma_start3A_328 : memref<800000xf32, #tpu.memory_space<hbm>>) target(%dma_start3A_325 : memref<2048xf32, #tpu.memory_space<vmem>>) offsets(%dma_start3A_326 : memref<2048xi32, #tpu.memory_space<vmem>>) semaphore(%arg11 : memref<!tpu.dma_semaphore, #tpu.memory_space<semaphore_mem>>)
          %dma_start3A_329 = tpu.memref_slice %arg9[%multiple_of3A_323] : memref<4096xf32, #tpu.memory_space<vmem>> -> memref<2048xf32, #tpu.memory_space<vmem>>
          %dma_start3A_330 = tpu.memref_slice %arg7[%multiple_of3A_323] : memref<4096xi32, #tpu.memory_space<vmem>> -> memref<2048xi32, #tpu.memory_space<vmem>>
          %dma_start3A_331 = arith.constant 400000 : i32
          %dma_start3A_332 = tpu.memref_slice %arg4[%dma_start3A_331] : memref<800000xf32, #tpu.memory_space<hbm>> -> memref<400000xf32, #tpu.memory_space<hbm>>
          %dma_start3A_333 = arith.constant 0 : i32
          %dma_start3A_334 = tpu.memref_slice %dma_start3A_332[%dma_start3A_333] : memref<400000xf32, #tpu.memory_space<hbm>> -> memref<400000xf32, #tpu.memory_space<hbm>>
          tpu.enqueue_indirect_dma source(%dma_start3A_334 : memref<400000xf32, #tpu.memory_space<hbm>>) target(%dma_start3A_329 : memref<2048xf32, #tpu.memory_space<vmem>>) offsets(%dma_start3A_330 : memref<2048xi32, #tpu.memory_space<vmem>>) semaphore(%arg12 : memref<!tpu.dma_semaphore, #tpu.memory_space<semaphore_mem>>)
        } else {
        }
      } else {
      }
      scf.yield %select_n3A_284, %add3A_279, %select_n3A_241, %select_n3A_252, %select_n3A_263, %select_n3A_274 : i32, i32, vector<16xf32>, vector<16xf32>, vector<16xf32>, vector<16xf32>
    }
    "tpu.region"() ({
      %run_scoped3A = tpu.sem_alloc : memref<!tpu.dma_semaphore, #tpu.memory_space<semaphore_mem>>
      %dma_start3A_100 = arith.constant 0 : i32
      %dma_start3A_101 = tpu.memref_slice %arg10[%dma_start3A_100] : memref<3144xf32, #tpu.memory_space<vmem>> -> memref<3128xf32, #tpu.memory_space<vmem>>
      %dma_start3A_102 = tpu.memref_slice %arg5[%mul3A_2] : memref<100096xf32, #tpu.memory_space<hbm>> -> memref<3128xf32, #tpu.memory_space<hbm>>
      %dma_start3A_103 = tpu.memref_slice %arg5[%mul3A_2] : memref<100096xf32, #tpu.memory_space<hbm>> -> memref<3128xf32, #tpu.memory_space<hbm>>
      %dma_start3A_104 = arith.constant 0 : i32
      %dma_start3A_105 = tpu.memref_slice %arg10[%dma_start3A_104] : memref<3144xf32, #tpu.memory_space<vmem>> -> memref<3128xf32, #tpu.memory_space<vmem>>
      tpu.enqueue_dma source(%dma_start3A_105 : memref<3128xf32, #tpu.memory_space<vmem>>) target(%dma_start3A_103 : memref<3128xf32, #tpu.memory_space<hbm>>) target_semaphore(%run_scoped3A : memref<!tpu.dma_semaphore, #tpu.memory_space<semaphore_mem>>)
      %dma_wait3A_106 = arith.constant 0 : i32
      %dma_wait3A_107 = tpu.memref_slice %arg10[%dma_wait3A_106] : memref<3144xf32, #tpu.memory_space<vmem>> -> memref<3128xf32, #tpu.memory_space<vmem>>
      %dma_wait3A_108 = tpu.memref_slice %arg5[%mul3A_2] : memref<100096xf32, #tpu.memory_space<hbm>> -> memref<3128xf32, #tpu.memory_space<hbm>>
      %dma_wait3A_109 = tpu.memref_slice %arg5[%mul3A_2] : memref<100096xf32, #tpu.memory_space<hbm>> -> memref<3128xf32, #tpu.memory_space<hbm>>
      %dma_wait3A_110 = arith.constant 0 : i32
      %dma_wait3A_111 = tpu.memref_slice %arg10[%dma_wait3A_110] : memref<3144xf32, #tpu.memory_space<vmem>> -> memref<3128xf32, #tpu.memory_space<vmem>>
      tpu.wait_dma2 semaphore(%run_scoped3A : memref<!tpu.dma_semaphore, #tpu.memory_space<semaphore_mem>>) src(%dma_wait3A_111 : memref<3128xf32, #tpu.memory_space<vmem>>) dst(%dma_wait3A_109 : memref<3128xf32, #tpu.memory_space<hbm>>)
      tpu.yield
    }) : () -> ()
    return
  }
}

</mosaic_0001>

<sc_bundles>
// kernel: kernel.3.cloned.1.call-start
scs
__scs_entry_jumppad:
0x0: {  	(pc) =	sbr.rel $0x88, $3  }
0x1: {  	(tag) =	ssettag $0x0;
	lr =	simm.s32 $0x1  }
0x2: {  	[smem:$0x3F9E] =	sst lr;
	_ =	strace $0xD0000000  }
0x3: {  	_ = 	snop  }
0x4: {  	_ = 	snop  }
0x5: {  	_ = 	snop  }
0x6: {  	_ = 	snop  }
0x7: {  	_ = 	snop  }
__scs_overlays_trampoline_lowered:
0x8: {  	[smem:$0x3FAD] =	sst s0  }
0x9: {  	[smem:$0x3FAE] =	sst s1  }
0xa: {  	[smem:$0x3FAF] =	sst s2  }
0xb: {  	[smem:$0x3FB0] =	sst s3  }
0xc: {  	[smem:$0x3FB1] =	sst s4  }
0xd: {  	[smem:$0x3FB2] =	sst s5  }
0xe: {  	[smem:$0x3FB3] =	sst s6  }
0xf: {  	[smem:$0x3FB4] =	sst s7  }
0x10: {  	[smem:$0x3FB5] =	sst s8  }
0x11: {  	[smem:$0x3FB6] =	sst s9;
	s0 =	simm.s32 @!p0 $0x0  }
0x12: {  	s1 =	sld [smem:$0x3F9C];
	s0 =	simm.s32 @p0 $0x1  }
0x13: {  	[smem:$0x3FB7] =	sst s0;
	s0 =	simm.s32 @!p1 $0x0  }
0x14: {  	s2 =	sld [smem:$0x3F9B];
	s0 =	simm.s32 @p1 $0x1  }
0x15: {  	[smem:$0x3FB8] =	sst s0;
	s0 =	simm.s32 @!p2 $0x0  }
0x16: {  	s3 =	sld [smem:$0x3FDB];
	s0 =	simm.s32 @p2 $0x1  }
0x17: {  	s4 =	simm.s32 $0x1BF5;
	[smem:$0x3FBA] =	sst s0  }
0x18: {  	s0 =	sld [smem:$0x3F9D];
	_ =	swait.ge [sflag:s4], $0x0  }
0x19: {  	s7 =	sld [smem:$0x3F9E]  }
0x1a: {  	s8 =	sadd.s32 $0xFFFFE003, lr  }
0x1b: {  	s9 =	sadd.s32 $0xFFFFFEF7, lr;
	s5 =	simm.s32 $0xFFFFFFFF;
	p2 =	slt.u32 s8, $0xFFFFF086  }
0x1c: {  	p1 =	slt.u32 s9, $0xF7A;
	s5 =	simm.s32 @!p2 $0x0  }
0x1d: {  	s5 =	simm.s32 @p1 $0x1;
	p0 =	seq.s32 s7, s2  }
0x1e: {  	s7 =	smul.u32 @!p0 $0xF7A, s2;
	p2 =	seq.s32 @!p0 s5, $0x0  }
0x1f: {  	s9 =	smul.u32 $0xF7A, s1;
	s8 =	simm.s32 @!p0 $0x1BF5;
	p2 =	por !p2, p0  }
0x20: {  	[sflag:s8] =	ssyncset.s32 @!p0 $0xFFFFF086;
	s6 =	sadd.s32 @!p0 s3, s7;
	s7 =	simm.s32 @!p0 $0x108  }
0x21: {  	s3 =	sadd.s32 s3, s9;
	s6 =	sadd.s32 @!p0 $0x88, s6;
	s7 =	simm.s32 @p2 $0x1082  }
0x22: {  	[simem:s7], [sflag:s8] =	dma.local @!p0 [hbm:s6], $0xF7A  }
0x23: {  	s9 =	sor.u32 $0xD0000000, s2;
	s6 =	simm.s32 $0x108;
	_ =	swait.ge @!p0 [sflag:s8], $0x0  }
0x24: {  	s3 =	sadd.s32 $0x88, s3;
	s6 =	simm.s32 @!p1 $0x1082;
	[sflag:s4] =	ssyncset.s32 $0xFFFFF086  }
0x25: {  	[simem:s6], [sflag:s4] =	dma.local [hbm:s3], $0xF7A  }
0x26: {  	[smem:$0x3F9E] =	sst s1;
	(tag) =	ssettag s2;
	_ =	strace s9  }
0x27: {  	s1 =	sld [smem:$0x3FAE]  }
0x28: {  	s2 =	sld [smem:$0x3FAF]  }
0x29: {  	s4 =	sld [smem:$0x3FB1]  }
0x2a: {  	p0 =	seq.s32 s5, $0x0;
	s5 =	sld [smem:$0x3FB2]  }
0x2b: {  	s6 =	sld [smem:$0x3FB3]  }
0x2c: {  	s7 =	sld [smem:$0x3FB4]  }
0x2d: {  	s3 =	simm.s32 $0x108;
	s8 =	sld [smem:$0x3FB5]  }
0x2e: {  	s3 =	simm.s32 @!p0 $0x1082;
	s9 =	sld [smem:$0x3FB6]  }
0x2f: {  	lr =	sadd.s32 s0, s3;
	s0 =	sld [smem:$0x3FAD]  }
0x30: {  	s3 =	sld [smem:$0x3FB0]  }
0x31: {  	[smem:$0x3FB9] =	sst s10  }
0x32: {  	s10 =	sld [smem:$0x3FB7];
	_ =	sdelay $0x3  }
0x33: {  	p0 =	seq.s32 s10, $0x1;
	s10 =	sld [smem:$0x3FB9];
	_ =	sdelay $0x3  }
0x34: {  	[smem:$0x3FB9] =	sst s10  }
0x35: {  	s10 =	sld [smem:$0x3FB8];
	_ =	sdelay $0x3  }
0x36: {  	p1 =	seq.s32 s10, $0x1;
	s10 =	sld [smem:$0x3FB9];
	_ =	sdelay $0x3  }
0x37: {  	[smem:$0x3FB9] =	sst s10  }
0x38: {  	s10 =	sld [smem:$0x3FBA]  }
0x39: {  	_ = 	snop;
	(pc) =	sbr.ind lr, $3  }
0x3a: {  	_ = 	snop  }
0x3b: {  	_ = 	snop  }
0x3c: {  	p2 =	seq.s32 s10, $0x1;
	s10 =	sld [smem:$0x3FB9]  }
0x3d: {  	_ =	shalt  }
0x3e: {  	_ =	shalt  }
0x3f: {  	_ =	shalt  }
0x40: {  	_ =	shalt  }
0x41: {  	_ =	shalt  }
0x42: {  	_ =	shalt  }
0x43: {  	_ =	shalt  }
0x44: {  	_ =	shalt  }
0x45: {  	_ =	shalt  }
0x46: {  	_ =	shalt  }
0x47: {  	_ =	shalt  }
0x48: {  	_ =	shalt  }
0x49: {  	_ =	shalt  }
0x4a: {  	_ =	shalt  }
0x4b: {  	_ =	shalt  }
0x4c: {  	_ =	shalt  }
0x4d: {  	_ =	shalt  }
0x4e: {  	_ =	shalt  }
0x4f: {  	_ =	shalt  }
0x50: {  	_ =	shalt  }
0x51: {  	_ =	shalt  }
0x52: {  	_ =	shalt  }
0x53: {  	_ =	shalt  }
0x54: {  	_ =	shalt  }
0x55: {  	_ =	shalt  }
0x56: {  	_ =	shalt  }
0x57: {  	_ =	shalt  }
0x58: {  	_ =	shalt  }
0x59: {  	_ =	shalt  }
0x5a: {  	_ =	shalt  }
0x5b: {  	_ =	shalt  }
0x5c: {  	_ =	shalt  }
0x5d: {  	_ =	shalt  }
0x5e: {  	_ =	shalt  }
0x5f: {  	_ =	shalt  }
0x60: {  	_ =	shalt  }
0x61: {  	_ =	shalt  }
0x62: {  	_ =	shalt  }
0x63: {  	_ =	shalt  }
0x64: {  	_ =	shalt  }
0x65: {  	_ =	shalt  }
0x66: {  	_ =	shalt  }
0x67: {  	_ =	shalt  }
0x68: {  	_ =	shalt  }
0x69: {  	_ =	shalt  }
0x6a: {  	_ =	shalt  }
0x6b: {  	_ =	shalt  }
0x6c: {  	_ =	shalt  }
0x6d: {  	_ =	shalt  }
0x6e: {  	_ =	shalt  }
0x6f: {  	_ =	shalt  }
0x70: {  	_ =	shalt  }
0x71: {  	_ =	shalt  }
0x72: {  	_ =	shalt  }
0x73: {  	_ =	shalt  }
0x74: {  	_ =	shalt  }
0x75: {  	_ =	shalt  }
0x76: {  	_ =	shalt  }
0x77: {  	_ =	shalt  }
0x78: {  	_ =	shalt  }
0x79: {  	_ =	shalt  }
0x7a: {  	_ =	shalt  }
0x7b: {  	_ =	shalt  }
0x7c: {  	_ =	shalt  }
0x7d: {  	_ =	shalt  }
0x7e: {  	_ =	shalt  }
0x7f: {  	_ =	shalt  }
0x80: {  	_ =	shalt  }
0x81: {  	_ =	shalt  }
0x82: {  	_ =	shalt  }
0x83: {  	_ =	shalt  }
0x84: {  	_ =	shalt  }
0x85: {  	_ =	shalt  }
0x86: {  	_ =	shalt  }
0x87: {  	_ =	shalt  }
.Lfunc_end0:
.L_simem_size_0:
called_computation_lowered:
.L_overlay_start_0:
0x88: {  	s2 =	sld [smem:$0x3FD9]  }
0x89: {  	s3 =	sld [smem:$0x3FFE];
	_ =	sdelay $0x1  }
0x8a: {  	s1 =	srdreg.scid  }
0x8b: {  	s0 =	sand.u32 $0x1, s1  }
0x8c: {  	s17 =	sshll.u32 s0, $0xA;
	s2 =	sadd.s32 s3, s2  }
0x8d: {  	s2 =	sadd.s32 s2, s17  }
0x8e: {  	[smem:$0x3FC5] =	sst s2  }
0x8f: {  	_ = 	snop  }
0x90: {  	s2 =	sld [smem:$0x3FC9]  }
0x91: {  	s18 =	sld [smem:$0x3FC8]  }
0x92: {  	s4 =	sld [smem:$0x3FD0];
	(tm) =	ssettm $0x1  }
0x93: {  	s5 =	sld [smem:$0x3FFB];
	_ =	sdelay $0x3  }
0x94: {  	_ =	strace s5  }
0x95: {  	s5 =	sld [smem:$0x3FFC];
	_ =	sdelay $0x3  }
0x96: {  	_ =	strace s5  }
0x97: {  	s5 =	sld [smem:$0x3FFD];
	_ =	sdelay $0x3  }
0x98: {  	_ =	strace s5  }
0x99: {  	_ =	strace $0x8FFFFFFF  }
0x9a: {  	s19 =	sld [smem:$0x3FDB];
	_ =	sdelay $0x1  }
0x9b: {  	s6 =	simm.s32 $_scs_section_size  }
0x9c: {  	s7 =	simm.s32 $_size__tile_overlayer_lowered;
	s8 =	simm.s32 $_tile_overlayer_lowered  }
0x9d: {  	s22 =	simm.s32 $0x1BFF;
	s21 =	sshll.u32 s8, $0x1;
	s5 =	sadd.s32 s6, s19  }
0x9e: {  	s9 =	simm.s32 $0x0;
	s20 =	sshll.u32 s7, $0x1;
	s7 =	sadd.s32 s21, s5  }
0x9f: {  	[timem:s9], [sflag:s22] =	dma.local [hbm:s7], s20  }
0xa0: {  	_ =	swait.ge [sflag:s22], s20  }
0xa1: {  	s6 =	ssub.s32 $0x0, s20;
	[sflag:s22] =	ssyncset.done $0x0  }
0xa2: {  	[sflag:s22] =	ssyncadd.s32 s6;
	_ =	sdelay $0x1  }
0xa3: {  	s23 =	simm.s32 $0x1B8B  }
0xa4: {  	_ =	swait.ge [sflag:s23], $0x1  }
0xa5: {  	[sflag:s23] =	ssyncset.done $0x0  }
0xa6: {  	s25 =	simm.s32 $0x1B8E;
	s24 =	sld [smem:$0x3FFE];
	[sflag:s23] =	ssyncadd.s32 $0xFFFFFFFF  }
0xa7: {  	s26 =	simm.s32 $execute0_lowered;
	[smem:$0x3FD2] =	sst s25  }
0xa8: {  	s7 =	sshll.u32 s26, $0x1;
	_ =	strace $0x80000046;
	[dreg:$0x1] =	wrdreg $0xFFFFFFFF  }
0xa9: {  	s28 =	simm.s32 $_size_execute0_lowered;
	s5 =	sadd.s32 s5, s7;
	[dreg:$0x0] =	wrdreg $0x0  }
0xaa: {  	s7 =	sshll.u32 s28, $0x1;
	[dreg:$0x2] =	wrdreg s5  }
0xab: {  	[dreg:$0x3] =	wrdreg s7  }
0xac: {  	[dreg:$0x4] =	wrdreg $0xC0  }
0xad: {  	_ =	task [dreg:s9], $0x5FFFF  }
0xae: {  	[dreg:$0x1] =	wrdreg $0xFFFFFFFF  }
0xaf: {  	[dreg:$0x0] =	wrdreg $0x60  }
0xb0: {  	[dreg:$0x2] =	wrdreg s24  }
0xb1: {  	[dreg:$0x3] =	wrdreg s18  }
0xb2: {  	[dreg:$0x4] =	wrdreg s2  }
0xb3: {  	[dreg:$0x5] =	wrdreg s4  }
0xb4: {  	[dreg:$0x6] =	wrdreg $0x9  }
0xb5: {  	_ =	task.clear_ibuf [dreg:s9], $0x7FFFF;
	_ =	strace $0x90000046  }
0xb6: {  	s29 =	simm.s32 $0x9;
	_ =	strace $0x80000048  }
0xb7: {  	_ =	swait.ge [sflag:s29], $0x1  }
0xb8: {  	[sflag:s29] =	ssyncadd.s32 $0xFFFFFFFF  }
0xb9: {  	_ =	strace $0x90000048  }
0xba: {  	_ =	sfence  }
0xbb: {  	s30 =	sld [smem:$0x0];
	_ =	sdelay $0x2  }
0xbc: {  	s31 =	sshll.u32 s1, $0xD;
	s1 =	sshrl.u32 s1, $0x2  }
0xbd: {  	s3 =	sand.u32 $0x4000, s31;
	s1 =	sadd.s32 s1, s30  }
0xbe: {  	s0 =	sor.u32 s3, s0;
	s1 =	sshll.u32 s1, $0x11  }
0xbf: {  	s0 =	sor.u32 s1, s0  }
0xc0: {  	s0 =	sadd.s32 $0x8F2B, s0  }
0xc1: {  	[sflag:s0] =	ssyncadd.remote.s32 $0x1  }
0xc2: {  	_ =	sfence.sel $0xFFFF  }
0xc3: {  	[dreg:$0x0] =	wrdreg $0xFFFFFFFF;
	(pc) =	sbr.abs _section_cstart, $3  }
0xc4: {  	[dreg:$0x1] =	wrdreg $0xFFFFFFFF  }
0xc5: {  	_ =	task.clear_ibuf [dreg:s9], $0x2FFFF;
	_ =	strace $0x9FFFFFFF  }
0xc6: {  	(tm) =	ssettm $0x7FFFFFFF  }
0xc7: {  	_ =	shalt  }
tec
execute0_lowered:
.L_overlay_start_1:
0x0: {  	(tag) =	ssettag $0x1  }
0x1: {  	s5 =	rddreg [dreg:$0x0]  }
0x2: {  	s2 =	srdreg.scid;
	s1 =	rddreg [dreg:$0x1]  }
0x3: {  	s0 =	stileid.u32;
	s3 =	rddreg [dreg:$0x2]  }
0x4: {  	s7 =	rddreg [dreg:$0x3];
	s4 =	simm.s32 $0x0;
	s10 =	simm.s32 $0x1  }
0x5: {  	s11 =	simm.s32 $0xC80;
	s12 =	simm.s32 $0x800;
	s13 =	simm.s32 $0x1C80  }
0x6: {  	s14 =	simm.s32 $0x2C80;
	s15 =	simm.s32 $0x2;
	s16 =	simm.s32 $0x3C80  }
0x7: {  	s17 =	simm.s32 $0x0;
	s6 =	sand.u32 $0x1, s2;
	s31 =	sshll.u32 s0, $0x1  }
.Ltmp0:
0x8: {  	s2 =	sor.u32 s6, s31;
	s6 =	ssub.s32 $0x2, s6;
	(pc) =	sbr.rel .LBB2_1-.Ltmp0, $4  }
0x9: {  	[smem:$0x7FF] =	sst s4;
	s8 =	smul.u32 $0x187, s2;
	s9 =	sshrl.u32 s6, $0x1  }
0xa: {  	s2 =	rddreg [dreg:$0x4];
	_ =	strace $0x80000047;
	s9 =	ssub.s32 s6, s9  }
0xb: {  	s6 =	sadd.s32 $0xC350, s3;
	s5 =	sadd.s32 s8, s5;
	s7 =	sadd.s32 s7, s8  }
0xc: {  	vm0 =	vmmov $0x1;
	v0 =	vimm.s32 $0x1;
	s8 =	smax.u32 s9, $0x1;
	s9 =	simm.s32 $0x3;
	s5 =	sadd.s32 $0x400, s5  }
.LBB2_14:
0xd: {  	s17 =	sadd.s32 $0x1, s17  }
0xe: {  	p0 =	sne.s32 s17, s8  }
.Ltmp1:
0xf: {  	_ = 	snop;
	(pc) =	sbr.rel @!p0 .LBB2_15-.Ltmp1, $4  }
0x10: {  	[hbm4b:s7+s4] =	stream.linear.scatter [tilespmem:s16], [sflag:$0x3], $0xC38, $0x38;
	[tilespmem:$0x4900] =	vst v63  }
0x11: {  	_ =	swait.ge [sflag:s9], $0xC38  }
0x12: {  	[sflag:s9] =	ssyncset.done $0x0  }
0x13: {  	[sflag:s9] =	ssyncadd.s32 $0xFFFFF3C8  }
.LBB2_1:
0x14: {  	[tilespmem:s4], [sflag:$0x3] =	stream.linear.gather [hbm4b:s5+s4], $0xC60, $0x38;
	[tilespmem:$0x4900] =	vst v63  }
0x15: {  	_ =	swait.ge [sflag:s9], $0xC60  }
0x16: {  	[sflag:s9] =	ssyncset.done $0x0  }
0x17: {  	[sflag:s9] =	ssyncadd.s32 $0xFFFFF3A0  }
0x18: {  	v1 =	vld [tilespmem:$0x0];
	_ =	sdelay $0x4  }
0x19: {  	(v2sf) =	vpush v1, $0x0;
	_ =	sdelay $0x5  }
0x1a: {  	v1 =	vld [tilespmem:$0xC38];
	_ =	sdelay $0x4  }
0x1b: {  	(v2sf) =	vpush v1, $0x0;
	_ =	sdelay $0x3  }
0x1c: {  	s18 =	spop (v2sf)  }
0x1d: {  	s19 =	sand.u32 $0x7, s18  }
0x1e: {  	s20 =	sshra.s32 s18, $0x1F;
	p0 =	slt.s32 s18, $0x1;
	p1 =	sne.s32 s19, $0x0  }
0x1f: {  	s25 =	sshrl.u32 s20, $0x1D;
	p0 =	por !p0, !p1  }
0x20: {  	s19 =	simm.s32 $0x1;
	s18 =	sadd.s32 s25, s18;
	p0 =	por !p0, !p0  }
0x21: {  	s18 =	sshrl.u32 s18, $0x3;
	s19 =	simm.s32 @!p0 $0x0  }
0x22: {  	s18 =	ssub.s32 s18, s19  }
0x23: {  	s18 =	sshll.u32 s18, $0x3  }
0x24: {  	p0 =	slt.s32 s18, $0x61280  }
0x25: {  	s18 =	simm.s32 @!p0 $0x61280  }
0x26: {  	s26 =	sshrl.u32 s18, $0x3  }
0x27: {  	s19 =	spop (v2sf);
	s20 =	sadd.s32 s1, s26  }
0x28: {  	[tilespmem:s11], [sflag:$0x3] =	stream.linear.gather [hbm4b:s20+s4], $0x800, $0x38;
	[tilespmem:$0x4900] =	vst v63  }
0x29: {  	_ =	swait.ge [sflag:s9], $0x800  }
0x2a: {  	[sflag:s9] =	ssyncset.done $0x0  }
0x2b: {  	[sflag:s9] =	ssyncadd.s32 $0xFFFFF800  }
0x2c: {  	[tilespmem:s13], [sflag:$0x1] =	stream.indirect.gather [hbm4b:s3+s12], $0x1, s11, s12, $0xb8;
	[tilespmem:$0x4900] =	vst v63  }
0x2d: {  	s20 =	sadd.s32 $0x800, s18  }
0x2e: {  	[tilespmem:s14], [sflag:$0x2] =	stream.indirect.gather [hbm4b:s6+s12], $0x1, s11, s12, $0xb8;
	[tilespmem:$0x4900] =	vst v63  }
0x2f: {  	p0 =	sge.s32 s20, s19;
	_ =	swait.ge [sflag:s10], $0x800  }
0x30: {  	p1 =	slt.s32 @!p0 s20, $0x61280;
	[sflag:s10] =	ssyncset.done $0x0  }
0x31: {  	p1 =	por !p1, p0;
	[sflag:s10] =	ssyncadd.s32 $0xFFFFF800  }
0x32: {  	s20 =	simm.s32 @p1 $0x61280;
	_ =	swait.ge [sflag:s15], $0x800  }
0x33: {  	s21 =	simm.s32 @!p0 $0x0;
	s20 =	sshrl.u32 @!p0 s20, $0x3;
	[sflag:s15] =	ssyncset.done $0x0  }
0x34: {  	s22 =	simm.s32 @!p0 $0x1480;
	s20 =	sadd.s32 @!p0 s1, s20;
	[sflag:s15] =	ssyncadd.s32 $0xFFFFF800  }
0x35: {  	[tilespmem:s22], [sflag:$0x3] =	stream.linear.gather @!p0 [hbm4b:s20+s21], $0x800, $0x38;
	[tilespmem:$0x4900] =	vst v63  }
0x36: {  	s20 =	simm.s32 @!p0 $0x3  }
0x37: {  	_ =	swait.ge @!p0 [sflag:s20], $0x800  }
0x38: {  	[sflag:s20] =	ssyncset.done @!p0 $0x0  }
0x39: {  	s21 =	simm.s32 @!p0 $0x2480;
	[sflag:s20] =	ssyncadd.s32 @!p0 $0xFFFFF800;
	s20 =	simm.s32 @!p0 $0x800  }
0x3a: {  	[tilespmem:s21], [sflag:$0x1] =	stream.indirect.gather @!p0 [hbm4b:s3+s20], $0x1, s22, s20, $0xb8;
	[tilespmem:$0x4900] =	vst v63  }
0x3b: {  	s28 =	ssub.s32 s19, s18;
	s21 =	simm.s32 @!p0 $0x3480  }
0x3c: {  	[tilespmem:s21], [sflag:$0x2] =	stream.indirect.gather @!p0 [hbm4b:s6+s20], $0x1, s22, s20, $0xb8;
	[tilespmem:$0x4900] =	vst v63  }
0x3d: {  	s20 =	sadd.s32 $0x7FF, s28  }
0x3e: {  	s29 =	sand.u32 $0x7FF, s20  }
0x3f: {  	s30 =	sshra.s32 s20, $0x1F;
	p5 =	slt.s32 s20, $0x1;
	p6 =	sne.s32 s29, $0x0  }
0x40: {  	s31 =	sshrl.u32 s30, $0x15;
	p0 =	por !p5, !p6  }
0x41: {  	s21 =	simm.s32 $0x1;
	s20 =	sadd.s32 s31, s20;
	p0 =	por !p0, !p0  }
0x42: {  	s20 =	sshra.s32 s20, $0xB;
	s21 =	simm.s32 @!p0 $0x0  }
0x43: {  	s20 =	ssub.s32 s20, s21  }
0x44: {  	s20 =	sadd.s32 $0xC5, s20  }
0x45: {  	p0 =	slt.s32 s20, $0x1  }
.Ltmp2:
0x46: {  	_ = 	snop;
	(pc) =	sbr.rel @p0 .LBB2_14-.Ltmp2, $1  }
0x47: {  	_ =	sdelay $0x3  }
.Ltmp3:
0x48: {  	(pc) =	sbr.rel .LBB2_3-.Ltmp3, $3  }
0x49: {  	_ =	sdelay $0x1  }
0x4a: {  	v5 =	vimm.f32 $-Inf  }
0x4b: {  	v6 =	vimm.f32 $+Inf;
	v4 =	vimm.f32 $+Inf;
	v7 =	vimm.f32 $-Inf;
	s21 =	simm.s32 $0x0;
	s22 =	simm.s32 $0x0;
	s23 =	simm.s32 $0x0  }
.LBB2_5:
0x4c: {  	v15 =	vmovc v7;
	v16 =	vmovc v4;
	v17 =	vmov v5;
	v18 =	vmov v6;
	v10 =	vmov v8  }
.LBB2_12:
0x4d: {  	_ =	sdelay $0x3  }
0x4e: {  	v9 =	vsel vm1, v11, v9;
	v11 =	vld.idx.msk @p1 [tilespmem:v20+s14+$0x0], $0xffff  }
0x4f: {  	v13 =	vld.idx.msk @p1 [tilespmem:v13+s14+$0x0], $0xffff;
	v15 =	vmax.f32 @p2 v15, v19  }
0x50: {  	v19 =	vmax.f32 @p2 v12, v14;
	v16 =	vmin.f32 @p2 v16, v22;
	v12 =	vmin.f32 @p2 v12, v14;
	v10 =	vld.idx.msk [tilespmem:v10+s13+$0x0], $0xffff  }
0x51: {  	v14 =	vmax.f32 @p2 v17, v19;
	v17 =	vmovc @p1 v25;
	v12 =	vmin.f32 @p2 v18, v12;
	v15 =	vpsel p2, v15, v7  }
0x52: {  	v8 =	vld.idx.msk [tilespmem:v8+s14+$0x0], $0xffff;
	v16 =	vpsel p2, v16, v4;
	v18 =	vmax.f32 @p1 v17, v26;
	v17 =	vmin.f32 @p1 v17, v26  }
0x53: {  	v12 =	vpsel p2, v12, v6;
	v18 =	vpsel p1, v18, v0;
	v17 =	vpsel p1, v17, v0;
	v61 =	vld.idx.msk [tilespmem:v9+s13+$0x0], $0xffff  }
0x54: {  	v11 =	vpsel p1, v11, v0;
	v13 =	vpsel p1, v13, v0;
	v62 =	vld.idx.msk [tilespmem:v9+s14+$0x0], $0xffff;
	v9 =	vpsel p2, v14, v5  }
0x55: {  	v14 =	vmax.f32 @p1 v15, v18;
	v15 =	vmax.f32 @p1 v13, v11;
	v11 =	vmin.f32 @p1 v13, v11  }
0x56: {  	v13 =	vmin.f32 @p1 v16, v17;
	v14 =	vpsel p1, v14, v7;
	v9 =	vmax.f32 @p1 v9, v15  }
0x57: {  	v11 =	vmin.f32 @p1 v12, v11;
	v13 =	vpsel p1, v13, v4;
	v15 =	vpsel p1, v9, v5  }
0x58: {  	v63 =	vpsel p1, v11, v6;
	v12 =	vmax.f32 v10, v61;
	v10 =	vmin.f32 v10, v61  }
0x59: {  	v11 =	vmax.f32 v8, v62;
	v8 =	vmin.f32 v8, v62;
	v9 =	vmax.f32 v14, v12  }
0x5a: {  	v10 =	vmin.f32 v13, v10;
	v11 =	vmax.f32 v15, v11;
	v12 =	vmin.f32 v63, v8  }
.LBB2_13:
0x5b: {  	v8 =	vmov s25  }
0x5c: {  	vm1 =	vle.s32 v2, v8  }
0x5d: {  	v2 =	vmpcnt.ones.xlane vm1;
	_ =	sdelay $0x1  }
0x5e: {  	(v2sf) =	vpush v2, $0x0;
	_ =	sdelay $0xe  }
0x5f: {  	vm1 =	veq.s32 v3, $0x0;
	s28 =	spop (v2sf)  }
0x60: {  	v3 =	vsel vm1, v4, v10;
	p2 =	sne.s32 s28, $0x10  }
0x61: {  	p1 =	sgt.s32 s21, $0xC37;
	v4 =	vsel vm1, v5, v11;
	v5 =	vsel vm1, v6, v12;
	v2 =	vsel vm1, v7, v9;
	p0 =	por !p0, !p2  }
0x62: {  	v7 =	vsub.f32 @!p1 v4, v5;
	v6 =	vsub.f32 @!p1 v2, v3;
	p0 =	por !p0, !p0  }
0x63: {  	p2 =	slt.s32 @p0 s25, $0x61280  }
0x64: {  	v6 =	vadd.f32 @!p1 v7, v6;
	p2 =	por !p2, !p0  }
0x65: {  	vm1 =	vlt.u32 @!p1 v1, $0x63;
	s25 =	simm.s32 @p2 $0x61280  }
0x66: {  	v1 =	vnsel @!p1 vm1, $0x0, v6;
	s25 =	sadd.s32 @p0 $0x800, s25  }
0x67: {  	[tilespmem:s24+$0x3C80] =	vst @!p1 v1;
	s24 =	simm.s32 @p0 $0x1;
	p3 =	sge.s32 @p0 s25, s19  }
0x68: {  	_ =	swait.ge @p0 [sflag:s24], $0x800;
	p2 =	por p3, !p0  }
0x69: {  	[sflag:s24] =	ssyncset.done @p0 $0x0;
	p4 =	slt.s32 @!p2 s25, $0x61280  }
0x6a: {  	[sflag:s24] =	ssyncadd.s32 @p0 $0xFFFFF800;
	s24 =	simm.s32 @p0 $0x2;
	p3 =	por @p0 !p4, p3  }
0x6b: {  	_ =	swait.ge @p0 [sflag:s24], $0x800;
	p3 =	por !p3, !p0  }
0x6c: {  	[sflag:s24] =	ssyncset.done @p0 $0x0;
	s25 =	simm.s32 @!p3 $0x61280  }
0x6d: {  	[sflag:s24] =	ssyncadd.s32 @p0 $0xFFFFF800;
	s24 =	sshrl.u32 @!p2 s25, $0x3  }
0x6e: {  	s29 =	simm.s32 @!p2 $0x0;
	s25 =	sadd.s32 @!p2 $0xC80, s26;
	s24 =	sadd.s32 @!p2 s1, s24  }
0x6f: {  	[tilespmem:s25], [sflag:$0x3] =	stream.linear.gather @!p2 [hbm4b:s24+s29], $0x800, $0x38;
	[tilespmem:$0x4900] =	vst v63  }
0x70: {  	p3 =	slt.s32 s28, $0xF;
	s24 =	smov.u32 s28;
	s29 =	simm.s32 @!p2 $0x3  }
0x71: {  	s24 =	simm.s32 @!p3 $0xF;
	_ =	swait.ge @!p2 [sflag:s29], $0x800  }
0x72: {  	v1 =	vmov s24;
	[sflag:s29] =	ssyncset.done @!p2 $0x0  }
0x73: {  	s30 =	simm.s32 @!p2 $0x800;
	v1 =	vshrl.u32 v1, $0x1B;
	[sflag:s29] =	ssyncadd.s32 @!p2 $0xFFFFF800;
	s29 =	sadd.s32 @!p2 $0x1C80, s26  }
0x74: {  	[tilespmem:s29], [sflag:$0x1] =	stream.indirect.gather @!p2 [hbm4b:s3+s30], $0x1, s25, s30, $0xb8;
	v1 =	vand.u32 $0x10, v1;
	[tilespmem:$0x4900] =	vst v63  }
0x75: {  	v1 =	vadd.s32 s24, v1;
	s24 =	sadd.s32 @!p2 $0x2C80, s26  }
0x76: {  	[tilespmem:s24], [sflag:$0x2] =	stream.indirect.gather @!p2 [hbm4b:s6+s30], $0x1, s25, s30, $0xb8;
	[tilespmem:$0x4900] =	vst v63  }
0x77: {  	s23 =	sadd.s32 $0x1, s23;
	s25 =	simm.s32 $0x1  }
0x78: {  	s25 =	simm.s32 @!p0 $0x0;
	p0 =	sne.s32 s23, s20  }
.Ltmp4:
0x79: {  	_ = 	snop;
	(pc) =	sbr.rel @!p0 .LBB2_14-.Ltmp4, $4  }
0x7a: {  	v2 =	vperm.xlane v2, v1;
	v3 =	vperm.xlane v3, v1  }
0x7b: {  	p6 =	slt.s32 s28, $0x10;
	s24 =	smov.u32 s28;
	v6 =	vperm.xlane v4, v1;
	v1 =	vperm.xlane v5, v1  }
0x7c: {  	s24 =	simm.s32 @p1 $0x0;
	v7 =	vpsel !p6, $0xFF800000, v2  }
0x7d: {  	v4 =	vpsel !p6, $0x7F800000, v3;
	v5 =	vpsel !p6, $0xFF800000, v6;
	v6 =	vpsel !p6, $0x7F800000, v1;
	s21 =	sadd.s32 s21, s24;
	s22 =	sadd.s32 s25, s22  }
.LBB2_3:
0x7e: {  	p0 =	slt.s32 s21, $0xC38;
	s24 =	smov.u32 s21  }
0x7f: {  	s24 =	simm.s32 @!p0 $0xC38  }
0x80: {  	v1 =	vld [tilespmem:s24+$0x0]  }
0x81: {  	s26 =	sshll.u32 s22, $0xB;
	v2 =	vld [tilespmem:s24+$0x1]  }
0x82: {  	s28 =	sadd.s32 s18, s26  }
0x83: {  	p1 =	slt.s32 s28, $0x61280  }
0x84: {  	s28 =	simm.s32 @!p1 $0x61280  }
0x85: {  	s25 =	sadd.s32 $0x800, s28  }
0x86: {  	vm1 =	vgt.s32 v1, s28;
	vm2 =	vlt.s32 v2, s25  }
0x87: {  	v8 =	vnsel vm1, s28, v1;
	v3 =	vnsel vm2, s25, v2  }
0x88: {  	v1 =	vsub.s32 v2, v1;
	v3 =	vsub.s32 v3, v8  }
0x89: {  	v1 =	vadd.s32 $0xFFFFFFFE, v1;
	vm1 =	vgt.s32 v3, $0x0  }
0x8a: {  	vm2 =	vlt.u32 v1, $0x63;
	v3 =	vnsel vm1, $0x0, v3  }
0x8b: {  	v3 =	vnsel vm2, $0x0, v3  }
0x8c: {  	v9 =	vor.u32 $0x80000000, v3  }
0x8d: {  	(xrf0) =	vmax.scan.msk.u32 $0xffff, v9;
	_ =	sdelay $0x5  }
0x8e: {  	v9, _, _ =	vpop (xrf0)  }
0x8f: {  	(v2sf) =	vpush v9, $0xF;
	_ =	sdelay $0xe  }
0x90: {  	s29 =	spop (v2sf)  }
0x91: {  	s30 =	sadd.s32 $0x80000001, s29;
	p1 =	slt.s32 s29, $0xFFFFFFFF;
	s29 =	simm.s32 $0x1  }
0x92: {  	s29 =	simm.s32 @!p1 $0x0;
	s31 =	sshra.s32 s30, $0x1F  }
0x93: {  	s29 =	sadd.s32 s29, s31;
	s31 =	sand.u32 $0x1, s30  }
0x94: {  	p6 =	sne.s32 s29, $0x1;
	p2 =	seq.s32 s31, $0x1  }
0x95: {  	s29 =	sshrl.u32 s30, $0x1F;
	p1 =	por !p6, !p2  }
0x96: {  	s29 =	sadd.s32 s29, s30;
	s30 =	simm.s32 $0x1;
	p1 =	por !p1, !p1  }
0x97: {  	s29 =	sshra.s32 s29, $0x1;
	s30 =	simm.s32 @!p1 $0x0  }
0x98: {  	s29 =	ssub.s32 s29, s30  }
0x99: {  	p1 =	slt.s32 s29, $0x1  }
.Ltmp5:
0x9a: {  	_ = 	snop;
	(pc) =	sbr.rel @p1 .LBB2_13-.Ltmp5, $4  }
0x9b: {  	_ = 	snop  }
0x9c: {  	v7 =	vnsel vm0, $0xFF800000, v7  }
0x9d: {  	v4 =	vnsel vm0, $0x7F800000, v4;
	v5 =	vnsel vm0, $0xFF800000, v5;
	v6 =	vnsel vm0, $0x7F800000, v6  }
0x9e: {  	s26 =	sand.u32 $0x800, s26;
	v10 =	vmovc v4;
	v11 =	vmov v5;
	v12 =	vmov v6;
	v9 =	vmov v7  }
0x9f: {  	v9 =	vmov s28  }
0xa0: {  	v8 =	vsub.s32 v8, v9;
	v9 =	vmax.u32 v3, $0x1  }
0xa1: {  	v13 =	vadd.s32 s26, v8;
	v8 =	vsub.s32 v9, v0  }
0xa2: {  	v8 =	vadd.s32 v13, v8  }
0xa3: {  	s28 =	simm.s32 $0x0;
	p3 =	sne.s32 s29, $0x1;
	vm1 =	vlt.s32 v8, $0xFFF  }
.Ltmp6:
0xa4: {  	v9 =	vnsel vm1, $0xFFF, v8;
	v8 =	vadd.s32 s28, v13;
	(pc) =	sbr.rel @!p3 .LBB2_5-.Ltmp6, $4  }
0xa5: {  	vm1 =	vlt.s32 v8, v9  }
0xa6: {  	v8 =	vsel vm1, v8, v9  }
0xa7: {  	v11 =	vadd.s32 $0x1, v8  }
0xa8: {  	p1 =	por $0x0, $0x0;
	p2 =	por $0x0, $0x0;
	s28 =	sadd.s32 $0xFFFFFFFF, s29;
	vm1 =	vlt.s32 v11, v9  }
0xa9: {  	v20 =	vsel vm1, v11, v9;
	s29 =	simm.s32 $0x2;
	p3 =	sne.s32 s28, $0x1  }
.Ltmp7:
0xaa: {  	v10 =	vadd.s32 s29, v13;
	(pc) =	sbr.rel @!p3 .LBB2_7-.Ltmp7, $4  }
0xab: {  	vm1 =	vlt.s32 v10, v9  }
0xac: {  	v10 =	vsel vm1, v10, v9  }
0xad: {  	v25 =	vld.idx.msk [tilespmem:v8+s13+$0x0], $0xffff;
	v11 =	vadd.s32 $0x1, v10  }
0xae: {  	p1 =	por $0x1, $0x1;
	s29 =	sadd.s32 $0xFFFFFFFF, s28;
	vm1 =	vlt.s32 v11, v9;
	v26 =	vld.idx.msk [tilespmem:v20+s13+$0x0], $0xffff  }
0xaf: {  	_ =	sdelay $0x1  }
0xb0: {  	v21 =	vsel vm1, v11, v9;
	s28 =	simm.s32 $0x4;
	p3 =	sne.s32 s29, $0x1  }
.Ltmp8:
0xb1: {  	v11 =	vadd.s32 s28, v13;
	(pc) =	sbr.rel @!p3 .LBB2_9-.Ltmp8, $4  }
0xb2: {  	v14 =	vld.idx.msk [tilespmem:v20+s14+$0x0], $0xffff;
	vm1 =	vlt.s32 v11, v9  }
0xb3: {  	v12 =	vld.idx.msk [tilespmem:v8+s14+$0x0], $0xffff;
	v8 =	vsel vm1, v11, v9  }
0xb4: {  	v23 =	vld.idx.msk [tilespmem:v10+s13+$0x0], $0xffff;
	v15 =	vmovc v7;
	v16 =	vmovc v4;
	v17 =	vmov v5;
	v11 =	vadd.s32 $0x1, v8;
	v19 =	vmax.f32 v25, v26  }
0xb5: {  	s29 =	sadd.s32 $0xFFFFFFFF, s29;
	p2 =	por $0x1, $0x1;
	v18 =	vmovc v6;
	v22 =	vmin.f32 v25, v26;
	v25 =	vmov v8;
	vm1 =	vlt.s32 v11, v9;
	v24 =	vld.idx.msk [tilespmem:v21+s13+$0x0], $0xffff  }
.LBB2_10:
0xb6: {  	v15 =	vmax.f32 v15, v19  }
0xb7: {  	p3 =	sne.s32 s29, $0x1;
	s29 =	sadd.s32 $0xFFFFFFFF, s29;
	s28 =	sadd.s32 $0x2, s28;
	v16 =	vmin.f32 v16, v22;
	v19 =	vmov v14;
	v14 =	vld.idx.msk [tilespmem:v21+s14+$0x0], $0xffff;
	v21 =	vsel vm1, v11, v9  }
.Ltmp9:
0xb8: {  	v11 =	vadd.s32 s28, v13;
	v20 =	vmax.f32 v12, v19;
	v19 =	vmin.f32 v12, v19;
	v12 =	vld.idx.msk [tilespmem:v10+s14+$0x0], $0xffff;
	v10 =	vmovc v8;
	(pc) =	sbr.rel @p3 .LBB2_10-.Ltmp9, $4  }
0xb9: {  	vm1 =	vlt.s32 v11, v9;
	v17 =	vmax.f32 v17, v20;
	v18 =	vmin.f32 v18, v19  }
0xba: {  	v8 =	vsel vm1, v11, v9  }
0xbb: {  	v11 =	vadd.s32 $0x1, v8;
	v20 =	vmov v23;
	v23 =	vld.idx.msk [tilespmem:v25+s13+$0x0], $0xffff;
	v25 =	vmov v8  }
0xbc: {  	vm1 =	vlt.s32 v11, v9;
	v19 =	vmax.f32 v20, v24;
	v22 =	vmin.f32 v20, v24;
	v24 =	vld.idx.msk [tilespmem:v21+s13+$0x0], $0xffff  }
.Ltmp10:
0xbd: {  	_ = 	snop;
	(pc) =	sbr.rel .LBB2_12-.Ltmp10, $2  }
0xbe: {  	_ =	sdelay $0x2  }
0xbf: {  	v13 =	vmovc v10;
	v20 =	vmovc v21;
	v10 =	vmov v25;
	v25 =	vmov v23;
	v26 =	vmov v24  }
.LBB2_7:
.Ltmp11:
0xc0: {  	(pc) =	sbr.rel .LBB2_12-.Ltmp11, $3  }
0xc1: {  	_ =	sdelay $0x1  }
0xc2: {  	v13 =	vmov v8  }
0xc3: {  	v15 =	vmovc v7;
	v16 =	vmovc v4;
	v8 =	vmov v10;
	v17 =	vmov v5;
	v18 =	vmov v6  }
.LBB2_9:
.Ltmp12:
0xc4: {  	_ = 	snop;
	(pc) =	sbr.rel .LBB2_12-.Ltmp12, $3  }
0xc5: {  	_ =	sdelay $0x1  }
0xc6: {  	v13 =	vmovc v10;
	v20 =	vmov v21;
	v15 =	vmov v7;
	v16 =	vmov v4  }
0xc7: {  	v17 =	vmovc v5;
	v18 =	vmovc v6;
	v10 =	vmov v8;
	v25 =	vmov v23;
	v26 =	vmov v24  }
.LBB2_15:
0xc8: {  	_ =	sfence.sel $0x180000  }
0xc9: {  	[bflag:$0x0] =	sbarrier.arrive $0xFFFF  }
0xca: {  	p0 =	sne.s32 s0, $0x0;
	_ =	strace $0x90000047  }
0xcb: {  	s0 =	sadd.s32 @!p0 $0x100000, s2;
	[bflag:$0x2] =	sbarrier.arrive $0xFFFF  }
0xcc: {  	[sflag:s0] =	ssyncadd.tile.s32 @!p0 $0x1;
	_ =	shalt  }
.Lfunc_end2:
_tile_overlayer_lowered:
.L_overlay_start_2:
0xcd: {  	(tag) =	ssettag $0x2  }
0xce: {  	s0 =	rddreg [dreg:$0x0];
	s2 =	stileid.u32  }
0xcf: {  	s1 =	rddreg [dreg:$0x1];
	p0 =	sne.s32 s2, $0x0  }
0xd0: {  	s3 =	rddreg [dreg:$0x2];
	[bflag:$0x3] =	sbarrier.arrive $0xFFFF;
	s2 =	simm.s32 @!p0 $0x1C03  }
0xd1: {  	[timem:s3], [sflag:s2] =	dma.local @!p0 [hbm:s0], s1  }
0xd2: {  	s0 =	simm.s32 @!p0 $0x3  }
0xd3: {  	_ =	swait.ge @!p0 [sflag:s0], s1  }
0xd4: {  	s1 =	ssub.s32 @!p0 $0x0, s1;
	[sflag:s0] =	ssyncset.done @!p0 $0x0  }
0xd5: {  	[sflag:s0] =	ssyncadd.s32 @!p0 s1  }
0xd6: {  	[bflag:$0x3] =	sbarrier.arrive $0xFFFF  }
0xd7: {  	_ =	shalt  }

</sc_bundles>
